<compile_context>
chip_gen: v7x
topology: tpu7x:2x2x1
jax: 0.10.2.dev20260603
libtpu: 0.0.44.dev20260713+nightly
codegen_flags: <defaults>
</compile_context>

<pallas_src>
import functools

import jax
import jax.numpy as jnp
from jax import lax
from jax.experimental import pallas as pl
from jax.experimental.pallas import tpu as pltpu
from jax.experimental.pallas import tpu_sc as plsc

HIST = 200
BATCH = 4096
H = 128
NC = 2
NS = 16
CH = 128
NCHUNK = BATCH // CH
LANES = 16
NV = H // LANES
GSZ = 4
PPG = 25
FULL = 6
QCH = NCHUNK // GSZ
TCH = FULL * NCHUNK + QCH
NBUF = 4
NTRIP = TCH // NBUF

_mesh = plsc.VectorSubcoreMesh(
    core_axis_name="c", subcore_axis_name="s", num_cores=NC, num_subcores=NS
)


@functools.partial(
    pl.kernel,
    mesh=_mesh,
    out_type=jax.ShapeDtypeStruct((HIST, H), jnp.float32),
    scratch_types=[
        pltpu.VMEM((TCH, CH), jnp.int32),
        pltpu.VMEM((CH, H), jnp.float32),
        pltpu.VMEM((CH, H), jnp.float32),
        pltpu.VMEM((CH, H), jnp.float32),
        pltpu.VMEM((CH, H), jnp.float32),
        pltpu.VMEM((FULL + 1, H), jnp.float32),
        pltpu.VMEM((GSZ, H), jnp.float32),
        pltpu.VMEM_SHARED((GSZ, GSZ, H), jnp.float32),
        pltpu.SemaphoreType.DMA,
        pltpu.SemaphoreType.DMA,
        pltpu.SemaphoreType.DMA,
        pltpu.SemaphoreType.DMA,
        pltpu.SemaphoreType.DMA,
    ],
)
def _embed_sum(idx_hbm, table_hbm, out_hbm, idx_v, buf_a, buf_b, buf_c,
               buf_d, acc_v, red_v, part_sh, sem_a, sem_b, sem_c, sem_d,
               sem_o):
    c = lax.axis_index("c")
    s = lax.axis_index("s")
    sg = s // GSZ
    r = s % GSZ
    base = (c * GSZ + sg) * PPG
    ps = base + GSZ * FULL

    pltpu.sync_copy(idx_hbm.at[base + r * FULL], idx_v.at[pl.ds(0, NCHUNK)])
    pltpu.async_copy(table_hbm.at[idx_v.at[0]], buf_a, sem_a)
    pltpu.async_copy(table_hbm.at[idx_v.at[1]], buf_b, sem_b)
    pltpu.async_copy(table_hbm.at[idx_v.at[2]], buf_c, sem_c)
    pltpu.async_copy(table_hbm.at[idx_v.at[3]], buf_d, sem_d)
    for p in range(1, FULL):
        pltpu.async_copy(
            idx_hbm.at[base + r * FULL + p],
            idx_v.at[pl.ds(p * NCHUNK, NCHUNK)],
            sem_o,
        )
    pltpu.async_copy(
        idx_hbm.at[ps, pl.ds(r * QCH, QCH)],
        idx_v.at[pl.ds(FULL * NCHUNK, QCH)],
        sem_o,
    )
    for p in range(1, FULL):
        pltpu.make_async_copy(
            idx_hbm.at[base + r * FULL + p],
            idx_v.at[pl.ds(p * NCHUNK, NCHUNK)],
            sem_o,
        ).wait()
    pltpu.make_async_copy(
        idx_hbm.at[ps, pl.ds(r * QCH, QCH)],
        idx_v.at[pl.ds(FULL * NCHUNK, QCH)],
        sem_o,
    ).wait()

    def accum(buf, acc):
        def rows(rr, acc):
            r0 = 2 * rr
            acc = tuple(
                acc[h] + buf[r0, pl.ds(LANES * h, LANES)] for h in range(NV)
            )
            return tuple(
                acc[h] + buf[r0 + 1, pl.ds(LANES * h, LANES)]
                for h in range(NV)
            )
        return lax.fori_loop(0, CH // 2, rows, acc)

    zero = jnp.zeros((LANES,), jnp.float32)

    def chunk_step(j, buf, sem, acc):
        pltpu.make_async_copy(table_hbm.at[idx_v.at[j]], buf, sem).wait()
        acc = accum(buf, acc)

        @pl.when(j + NBUF < TCH)
        def _():
            pltpu.async_copy(table_hbm.at[idx_v.at[j + NBUF]], buf, sem)

        done = lax.rem(j + 1, NCHUNK) == 0
        p = lax.div(j + 1, NCHUNK) - 1

        @pl.when(done)
        def _():
            for h in range(NV):
                acc_v[p, pl.ds(LANES * h, LANES)] = acc[h]
            pltpu.async_copy(acc_v.at[p], out_hbm.at[base + r * FULL + p],
                             sem_o)

        return tuple(jnp.where(done, zero, a) for a in acc)

    def ring(i, acc):
        j = NBUF * i
        acc = chunk_step(j, buf_a, sem_a, acc)
        acc = chunk_step(j + 1, buf_b, sem_b, acc)
        acc = chunk_step(j + 2, buf_c, sem_c, acc)
        acc = chunk_step(j + 3, buf_d, sem_d, acc)
        return acc

    acc = lax.fori_loop(0, NTRIP, ring, (zero,) * NV)

    for h in range(NV):
        acc_v[FULL, pl.ds(LANES * h, LANES)] = acc[h]
    pltpu.sync_copy(acc_v.at[FULL], part_sh.at[sg, r])

    for p in range(FULL):
        pltpu.make_async_copy(acc_v.at[p], out_hbm.at[base + r * FULL + p],
                              sem_o).wait()
    plsc.subcore_barrier()

    @pl.when(r == 0)
    def _():
        pltpu.sync_copy(part_sh.at[sg], red_v)
        facc = tuple(red_v[0, pl.ds(LANES * h, LANES)] for h in range(NV))
        for q in range(1, GSZ):
            facc = tuple(
                facc[h] + red_v[q, pl.ds(LANES * h, LANES)] for h in range(NV)
            )
        for h in range(NV):
            acc_v[FULL, pl.ds(LANES * h, LANES)] = facc[h]
        pltpu.sync_copy(acc_v.at[FULL], out_hbm.at[ps])


def kernel(input, embedding_table):
    idx = jnp.transpose(input).reshape(HIST, NCHUNK, CH).astype(jnp.int32)
    out = _embed_sum(idx, embedding_table)
    return out.reshape(1, HIST * H)

# --- scband reference (transcript-rebuilt; emitter-appended) ---
"""Pipeline reference for scband-encoder-simple-60172491816980 (READ-ONLY COPY).

The authoritative reference and input builder live on the scoring server;
editing this copy changes nothing except your own understanding.
"""

import jax, jax.numpy as jnp
import numpy as np

SRC_VOCAB_SIZE = 1000000
HIDDEN_SIZE = 128
BATCH = 4096
HIST_LEN = 200

def setup_inputs(seed: int = 0) -> dict:
    key = jax.random.key(seed)
    k1, k2 = jax.random.split(key)
    input_ids = jax.random.randint(k1, (BATCH, HIST_LEN), 0, SRC_VOCAB_SIZE, dtype=jnp.int64 if jax.config.jax_enable_x64 else jnp.int32)
    embedding_table = jax.random.normal(k2, (SRC_VOCAB_SIZE, HIDDEN_SIZE), dtype=jnp.float32)
    return {"input": input_ids, "embedding_table": embedding_table}

def reference(input, embedding_table):
    # embedded = self.embedding(input).view(-1)
    embedded = jnp.take(embedding_table, input, axis=0)  # [B, L, H]
    embedded_flat = embedded.reshape(-1)
    # self.embedded = embedded.view(input.shape[0], 1, -1)
    embedded2 = embedded_flat.reshape(input.shape[0], 1, -1)  # [B, 1, L*H]
    # self.out = torch.sum(self.embedded, dim=0)
    out = jnp.sum(embedded2, axis=0)  # [1, L*H]
    return out

if __name__ == "__main__":
    import jax
    _d = setup_inputs()
    print(jax.jit(kernel)(*tuple(_d.values())))

</pallas_src>

<mosaic_0001>
#map = affine_map<(d0, d1) -> (0, 0, 0)>
#map1 = affine_map<(d0, d1) -> (0, 0)>
module attributes {stable_mosaic.version = 14 : i64} {
  func.func @_embed_sum(%arg0: i32, %arg1: i32, %arg2: memref<200x32x128xi32, #tpu.memory_space<hbm>>, %arg3: memref<1000000x128xf32, #tpu.memory_space<hbm>>, %arg4: memref<200x128xf32, #tpu.memory_space<hbm>>, %arg5: memref<200x128xi32, #tpu.memory_space<vmem>>, %arg6: memref<128x128xf32, #tpu.memory_space<vmem>>, %arg7: memref<128x128xf32, #tpu.memory_space<vmem>>, %arg8: memref<128x128xf32, #tpu.memory_space<vmem>>, %arg9: memref<128x128xf32, #tpu.memory_space<vmem>>, %arg10: memref<7x128xf32, #tpu.memory_space<vmem>>, %arg11: memref<4x128xf32, #tpu.memory_space<vmem>>, %arg12: memref<4x4x128xf32, #tpu.memory_space<vmem_shared>>, %arg13: memref<!tpu.dma_semaphore, #tpu.memory_space<semaphore_mem>>, %arg14: memref<!tpu.dma_semaphore, #tpu.memory_space<semaphore_mem>>, %arg15: memref<!tpu.dma_semaphore, #tpu.memory_space<semaphore_mem>>, %arg16: memref<!tpu.dma_semaphore, #tpu.memory_space<semaphore_mem>>, %arg17: memref<!tpu.dma_semaphore, #tpu.memory_space<semaphore_mem>>) attributes {dimension_semantics = [#tpu.dimension_semantics<core_parallel>, #tpu.dimension_semantics<subcore_parallel>], iteration_bounds = array<i64: 2, 16>, scalar_prefetch = 0 : i64, scratch_operands = 13 : i64, tpu.core_type = #tpu.core_type<sc_vector_subcore>, window_params = [{transform_indices = #map}, {transform_indices = #map1}, {transform_indices = #map1}]} {
    %jit3A = arith.constant 4 : i32
    %div3A = arith.divsi %arg1, %jit3A : i32
    %sign3A = arith.constant 0 : i32
    %sign3A_0 = arith.cmpi sgt, %arg1, %sign3A : i32
    %sign3A_1 = arith.extui %sign3A_0 : i1 to i32
    %sign3A_2 = arith.constant 0 : i32
    %sign3A_3 = arith.cmpi slt, %arg1, %sign3A_2 : i32
    %sign3A_4 = arith.extui %sign3A_3 : i1 to i32
    %sign3A_5 = arith.subi %sign3A_1, %sign3A_4 : i32
    %sign3A_6 = arith.constant 0 : i32
    %sign3A_7 = arith.cmpi sgt, %jit3A, %sign3A_6 : i32
    %sign3A_8 = arith.extui %sign3A_7 : i1 to i32
    %sign3A_9 = arith.constant 0 : i32
    %sign3A_10 = arith.cmpi slt, %jit3A, %sign3A_9 : i32
    %sign3A_11 = arith.extui %sign3A_10 : i1 to i32
    %sign3A_12 = arith.subi %sign3A_8, %sign3A_11 : i32
    %ne3A = arith.cmpi ne, %sign3A_5, %sign3A_12 : i32
    %rem3A = arith.remsi %arg1, %jit3A : i32
    %ne3A_13 = arith.constant 0 : i32
    %ne3A_14 = arith.cmpi ne, %rem3A, %ne3A_13 : i32
    %and3A = arith.andi %ne3A, %ne3A_14 : i1
    %sub3A = arith.constant 1 : i32
    %sub3A_15 = arith.subi %div3A, %sub3A : i32
    %select_n3A = arith.select %and3A, %sub3A_15, %div3A : i32
    %jit3A_16 = arith.constant 4 : i32
    %eq3A = arith.constant 0 : i32
    %eq3A_17 = arith.cmpi eq, %jit3A_16, %eq3A : i32
    %jit3A_18 = arith.constant 1 : i32
    %select_n3A_19 = arith.select %eq3A_17, %jit3A_18, %jit3A_16 : i32
    %rem3A_20 = arith.remsi %arg1, %select_n3A_19 : i32
    %ne3A_21 = arith.constant 0 : i32
    %ne3A_22 = arith.cmpi ne, %rem3A_20, %ne3A_21 : i32
    %lt3A = arith.constant 0 : i32
    %lt3A_23 = arith.cmpi slt, %rem3A_20, %lt3A : i32
    %lt3A_24 = arith.constant 0 : i32
    %lt3A_25 = arith.cmpi slt, %select_n3A_19, %lt3A_24 : i32
    %ne3A_26 = arith.xori %lt3A_23, %lt3A_25 : i1
    %and3A_27 = arith.andi %ne3A_26, %ne3A_22 : i1
    %add3A = arith.addi %rem3A_20, %select_n3A_19 : i32
    %select_n3A_28 = arith.select %and3A_27, %add3A, %rem3A_20 : i32
    %mul3A = arith.constant 4 : i32
    %mul3A_29 = arith.muli %arg0, %mul3A : i32
    %add3A_30 = arith.addi %mul3A_29, %select_n3A : i32
    %mul3A_31 = arith.constant 25 : i32
    %mul3A_32 = arith.muli %add3A_30, %mul3A_31 : i32
    %add3A_33 = arith.constant 24 : i32
    %add3A_34 = arith.addi %mul3A_32, %add3A_33 : i32
    %mul3A_35 = arith.constant 6 : i32
    %mul3A_36 = arith.muli %select_n3A_28, %mul3A_35 : i32
    %add3A_37 = arith.addi %mul3A_32, %mul3A_36 : i32
    "tpu.region"() ({
      %run_scoped3A_446 = tpu.sem_alloc : memref<!tpu.dma_semaphore, #tpu.memory_space<semaphore_mem>>
      %dma_start3A_447 = arith.constant 0 : i32
      %dma_start3A_448 = arith.constant 0 : i32
      %dma_start3A_449 = tpu.memref_slice %arg5[%dma_start3A_447, %dma_start3A_448] : memref<200x128xi32, #tpu.memory_space<vmem>> -> memref<32x128xi32, #tpu.memory_space<vmem>>
      %dma_start3A_450 = arith.constant 0 : i32
      %dma_start3A_451 = arith.constant 0 : i32
      %dma_start3A_452 = tpu.memref_slice %arg2[%add3A_37, %dma_start3A_450, %dma_start3A_451] : memref<200x32x128xi32, #tpu.memory_space<hbm>> -> memref<1x32x128xi32, #tpu.memory_space<hbm>>
      %dma_start3A_453 = tpu.memref_squeeze %dma_start3A_452 : memref<1x32x128xi32, #tpu.memory_space<hbm>> -> memref<32x128xi32, #tpu.memory_space<hbm>>
      %dma_start3A_454 = arith.constant 0 : i32
      %dma_start3A_455 = arith.constant 0 : i32
      %dma_start3A_456 = tpu.memref_slice %arg5[%dma_start3A_454, %dma_start3A_455] : memref<200x128xi32, #tpu.memory_space<vmem>> -> memref<32x128xi32, #tpu.memory_space<vmem>>
      %dma_start3A_457 = arith.constant 0 : i32
      %dma_start3A_458 = arith.constant 0 : i32
      %dma_start3A_459 = tpu.memref_slice %arg2[%add3A_37, %dma_start3A_457, %dma_start3A_458] : memref<200x32x128xi32, #tpu.memory_space<hbm>> -> memref<1x32x128xi32, #tpu.memory_space<hbm>>
      %dma_start3A_460 = tpu.memref_squeeze %dma_start3A_459 : memref<1x32x128xi32, #tpu.memory_space<hbm>> -> memref<32x128xi32, #tpu.memory_space<hbm>>
      tpu.enqueue_dma source(%dma_start3A_460 : memref<32x128xi32, #tpu.memory_space<hbm>>) target(%dma_start3A_456 : memref<32x128xi32, #tpu.memory_space<vmem>>) target_semaphore(%run_scoped3A_446 : memref<!tpu.dma_semaphore, #tpu.memory_space<semaphore_mem>>)
      %dma_wait3A_461 = arith.constant 0 : i32
      %dma_wait3A_462 = arith.constant 0 : i32
      %dma_wait3A_463 = tpu.memref_slice %arg5[%dma_wait3A_461, %dma_wait3A_462] : memref<200x128xi32, #tpu.memory_space<vmem>> -> memref<32x128xi32, #tpu.memory_space<vmem>>
      %dma_wait3A_464 = arith.constant 0 : i32
      %dma_wait3A_465 = arith.constant 0 : i32
      %dma_wait3A_466 = tpu.memref_slice %arg2[%add3A_37, %dma_wait3A_464, %dma_wait3A_465] : memref<200x32x128xi32, #tpu.memory_space<hbm>> -> memref<1x32x128xi32, #tpu.memory_space<hbm>>
      %dma_wait3A_467 = tpu.memref_squeeze %dma_wait3A_466 : memref<1x32x128xi32, #tpu.memory_space<hbm>> -> memref<32x128xi32, #tpu.memory_space<hbm>>
      %dma_wait3A_468 = arith.constant 0 : i32
      %dma_wait3A_469 = arith.constant 0 : i32
      %dma_wait3A_470 = tpu.memref_slice %arg5[%dma_wait3A_468, %dma_wait3A_469] : memref<200x128xi32, #tpu.memory_space<vmem>> -> memref<32x128xi32, #tpu.memory_space<vmem>>
      %dma_wait3A_471 = arith.constant 0 : i32
      %dma_wait3A_472 = arith.constant 0 : i32
      %dma_wait3A_473 = tpu.memref_slice %arg2[%add3A_37, %dma_wait3A_471, %dma_wait3A_472] : memref<200x32x128xi32, #tpu.memory_space<hbm>> -> memref<1x32x128xi32, #tpu.memory_space<hbm>>
      %dma_wait3A_474 = tpu.memref_squeeze %dma_wait3A_473 : memref<1x32x128xi32, #tpu.memory_space<hbm>> -> memref<32x128xi32, #tpu.memory_space<hbm>>
      tpu.wait_dma2 semaphore(%run_scoped3A_446 : memref<!tpu.dma_semaphore, #tpu.memory_space<semaphore_mem>>) src(%dma_wait3A_474 : memref<32x128xi32, #tpu.memory_space<hbm>>) dst(%dma_wait3A_470 : memref<32x128xi32, #tpu.memory_space<vmem>>)
      tpu.yield
    }) : () -> ()
    %dma_start3A = arith.constant 0 : i32
    %dma_start3A_38 = arith.constant 0 : i32
    %dma_start3A_39 = tpu.memref_slice %arg5[%dma_start3A, %dma_start3A_38] : memref<200x128xi32, #tpu.memory_space<vmem>> -> memref<1x128xi32, #tpu.memory_space<vmem>>
    %dma_start3A_40 = tpu.memref_squeeze %dma_start3A_39 : memref<1x128xi32, #tpu.memory_space<vmem>> -> memref<128xi32, #tpu.memory_space<vmem>>
    %dma_start3A_41 = arith.constant 0 : i32
    %dma_start3A_42 = arith.constant 0 : i32
    %dma_start3A_43 = tpu.memref_slice %arg3[%dma_start3A_41, %dma_start3A_42] : memref<1000000x128xf32, #tpu.memory_space<hbm>> -> memref<1000000x128xf32, #tpu.memory_space<hbm>>
    tpu.enqueue_indirect_dma source(%dma_start3A_43 : memref<1000000x128xf32, #tpu.memory_space<hbm>>) target(%arg6 : memref<128x128xf32, #tpu.memory_space<vmem>>) offsets(%dma_start3A_40 : memref<128xi32, #tpu.memory_space<vmem>>) semaphore(%arg13 : memref<!tpu.dma_semaphore, #tpu.memory_space<semaphore_mem>>)
    %dma_start3A_44 = arith.constant 1 : i32
    %dma_start3A_45 = arith.constant 0 : i32
    %dma_start3A_46 = tpu.memref_slice %arg5[%dma_start3A_44, %dma_start3A_45] : memref<200x128xi32, #tpu.memory_space<vmem>> -> memref<1x128xi32, #tpu.memory_space<vmem>>
    %dma_start3A_47 = tpu.memref_squeeze %dma_start3A_46 : memref<1x128xi32, #tpu.memory_space<vmem>> -> memref<128xi32, #tpu.memory_space<vmem>>
    %dma_start3A_48 = arith.constant 0 : i32
    %dma_start3A_49 = arith.constant 0 : i32
    %dma_start3A_50 = tpu.memref_slice %arg3[%dma_start3A_48, %dma_start3A_49] : memref<1000000x128xf32, #tpu.memory_space<hbm>> -> memref<1000000x128xf32, #tpu.memory_space<hbm>>
    tpu.enqueue_indirect_dma source(%dma_start3A_50 : memref<1000000x128xf32, #tpu.memory_space<hbm>>) target(%arg7 : memref<128x128xf32, #tpu.memory_space<vmem>>) offsets(%dma_start3A_47 : memref<128xi32, #tpu.memory_space<vmem>>) semaphore(%arg14 : memref<!tpu.dma_semaphore, #tpu.memory_space<semaphore_mem>>)
    %dma_start3A_51 = arith.constant 2 : i32
    %dma_start3A_52 = arith.constant 0 : i32
    %dma_start3A_53 = tpu.memref_slice %arg5[%dma_start3A_51, %dma_start3A_52] : memref<200x128xi32, #tpu.memory_space<vmem>> -> memref<1x128xi32, #tpu.memory_space<vmem>>
    %dma_start3A_54 = tpu.memref_squeeze %dma_start3A_53 : memref<1x128xi32, #tpu.memory_space<vmem>> -> memref<128xi32, #tpu.memory_space<vmem>>
    %dma_start3A_55 = arith.constant 0 : i32
    %dma_start3A_56 = arith.constant 0 : i32
    %dma_start3A_57 = tpu.memref_slice %arg3[%dma_start3A_55, %dma_start3A_56] : memref<1000000x128xf32, #tpu.memory_space<hbm>> -> memref<1000000x128xf32, #tpu.memory_space<hbm>>
    tpu.enqueue_indirect_dma source(%dma_start3A_57 : memref<1000000x128xf32, #tpu.memory_space<hbm>>) target(%arg8 : memref<128x128xf32, #tpu.memory_space<vmem>>) offsets(%dma_start3A_54 : memref<128xi32, #tpu.memory_space<vmem>>) semaphore(%arg15 : memref<!tpu.dma_semaphore, #tpu.memory_space<semaphore_mem>>)
    %dma_start3A_58 = arith.constant 3 : i32
    %dma_start3A_59 = arith.constant 0 : i32
    %dma_start3A_60 = tpu.memref_slice %arg5[%dma_start3A_58, %dma_start3A_59] : memref<200x128xi32, #tpu.memory_space<vmem>> -> memref<1x128xi32, #tpu.memory_space<vmem>>
    %dma_start3A_61 = tpu.memref_squeeze %dma_start3A_60 : memref<1x128xi32, #tpu.memory_space<vmem>> -> memref<128xi32, #tpu.memory_space<vmem>>
    %dma_start3A_62 = arith.constant 0 : i32
    %dma_start3A_63 = arith.constant 0 : i32
    %dma_start3A_64 = tpu.memref_slice %arg3[%dma_start3A_62, %dma_start3A_63] : memref<1000000x128xf32, #tpu.memory_space<hbm>> -> memref<1000000x128xf32, #tpu.memory_space<hbm>>
    tpu.enqueue_indirect_dma source(%dma_start3A_64 : memref<1000000x128xf32, #tpu.memory_space<hbm>>) target(%arg9 : memref<128x128xf32, #tpu.memory_space<vmem>>) offsets(%dma_start3A_61 : memref<128xi32, #tpu.memory_space<vmem>>) semaphore(%arg16 : memref<!tpu.dma_semaphore, #tpu.memory_space<semaphore_mem>>)
    %mul3A_65 = arith.constant 6 : i32
    %mul3A_66 = arith.muli %select_n3A_28, %mul3A_65 : i32
    %add3A_67 = arith.addi %mul3A_32, %mul3A_66 : i32
    %add3A_68 = arith.constant 1 : i32
    %add3A_69 = arith.addi %add3A_67, %add3A_68 : i32
    %dma_start3A_70 = arith.constant 32 : i32
    %dma_start3A_71 = arith.constant 0 : i32
    %dma_start3A_72 = tpu.memref_slice %arg5[%dma_start3A_70, %dma_start3A_71] : memref<200x128xi32, #tpu.memory_space<vmem>> -> memref<32x128xi32, #tpu.memory_space<vmem>>
    %dma_start3A_73 = arith.constant 0 : i32
    %dma_start3A_74 = arith.constant 0 : i32
    %dma_start3A_75 = tpu.memref_slice %arg2[%add3A_69, %dma_start3A_73, %dma_start3A_74] : memref<200x32x128xi32, #tpu.memory_space<hbm>> -> memref<1x32x128xi32, #tpu.memory_space<hbm>>
    %dma_start3A_76 = tpu.memref_squeeze %dma_start3A_75 : memref<1x32x128xi32, #tpu.memory_space<hbm>> -> memref<32x128xi32, #tpu.memory_space<hbm>>
    %dma_start3A_77 = arith.constant 32 : i32
    %dma_start3A_78 = arith.constant 0 : i32
    %dma_start3A_79 = tpu.memref_slice %arg5[%dma_start3A_77, %dma_start3A_78] : memref<200x128xi32, #tpu.memory_space<vmem>> -> memref<32x128xi32, #tpu.memory_space<vmem>>
    %dma_start3A_80 = arith.constant 0 : i32
    %dma_start3A_81 = arith.constant 0 : i32
    %dma_start3A_82 = tpu.memref_slice %arg2[%add3A_69, %dma_start3A_80, %dma_start3A_81] : memref<200x32x128xi32, #tpu.memory_space<hbm>> -> memref<1x32x128xi32, #tpu.memory_space<hbm>>
    %dma_start3A_83 = tpu.memref_squeeze %dma_start3A_82 : memref<1x32x128xi32, #tpu.memory_space<hbm>> -> memref<32x128xi32, #tpu.memory_space<hbm>>
    tpu.enqueue_dma source(%dma_start3A_83 : memref<32x128xi32, #tpu.memory_space<hbm>>) target(%dma_start3A_79 : memref<32x128xi32, #tpu.memory_space<vmem>>) target_semaphore(%arg17 : memref<!tpu.dma_semaphore, #tpu.memory_space<semaphore_mem>>)
    %mul3A_84 = arith.constant 6 : i32
    %mul3A_85 = arith.muli %select_n3A_28, %mul3A_84 : i32
    %add3A_86 = arith.addi %mul3A_32, %mul3A_85 : i32
    %add3A_87 = arith.constant 2 : i32
    %add3A_88 = arith.addi %add3A_86, %add3A_87 : i32
    %dma_start3A_89 = arith.constant 64 : i32
    %dma_start3A_90 = arith.constant 0 : i32
    %dma_start3A_91 = tpu.memref_slice %arg5[%dma_start3A_89, %dma_start3A_90] : memref<200x128xi32, #tpu.memory_space<vmem>> -> memref<32x128xi32, #tpu.memory_space<vmem>>
    %dma_start3A_92 = arith.constant 0 : i32
    %dma_start3A_93 = arith.constant 0 : i32
    %dma_start3A_94 = tpu.memref_slice %arg2[%add3A_88, %dma_start3A_92, %dma_start3A_93] : memref<200x32x128xi32, #tpu.memory_space<hbm>> -> memref<1x32x128xi32, #tpu.memory_space<hbm>>
    %dma_start3A_95 = tpu.memref_squeeze %dma_start3A_94 : memref<1x32x128xi32, #tpu.memory_space<hbm>> -> memref<32x128xi32, #tpu.memory_space<hbm>>
    %dma_start3A_96 = arith.constant 64 : i32
    %dma_start3A_97 = arith.constant 0 : i32
    %dma_start3A_98 = tpu.memref_slice %arg5[%dma_start3A_96, %dma_start3A_97] : memref<200x128xi32, #tpu.memory_space<vmem>> -> memref<32x128xi32, #tpu.memory_space<vmem>>
    %dma_start3A_99 = arith.constant 0 : i32
    %dma_start3A_100 = arith.constant 0 : i32
    %dma_start3A_101 = tpu.memref_slice %arg2[%add3A_88, %dma_start3A_99, %dma_start3A_100] : memref<200x32x128xi32, #tpu.memory_space<hbm>> -> memref<1x32x128xi32, #tpu.memory_space<hbm>>
    %dma_start3A_102 = tpu.memref_squeeze %dma_start3A_101 : memref<1x32x128xi32, #tpu.memory_space<hbm>> -> memref<32x128xi32, #tpu.memory_space<hbm>>
    tpu.enqueue_dma source(%dma_start3A_102 : memref<32x128xi32, #tpu.memory_space<hbm>>) target(%dma_start3A_98 : memref<32x128xi32, #tpu.memory_space<vmem>>) target_semaphore(%arg17 : memref<!tpu.dma_semaphore, #tpu.memory_space<semaphore_mem>>)
    %mul3A_103 = arith.constant 6 : i32
    %mul3A_104 = arith.muli %select_n3A_28, %mul3A_103 : i32
    %add3A_105 = arith.addi %mul3A_32, %mul3A_104 : i32
    %add3A_106 = arith.constant 3 : i32
    %add3A_107 = arith.addi %add3A_105, %add3A_106 : i32
    %dma_start3A_108 = arith.constant 96 : i32
    %dma_start3A_109 = arith.constant 0 : i32
    %dma_start3A_110 = tpu.memref_slice %arg5[%dma_start3A_108, %dma_start3A_109] : memref<200x128xi32, #tpu.memory_space<vmem>> -> memref<32x128xi32, #tpu.memory_space<vmem>>
    %dma_start3A_111 = arith.constant 0 : i32
    %dma_start3A_112 = arith.constant 0 : i32
    %dma_start3A_113 = tpu.memref_slice %arg2[%add3A_107, %dma_start3A_111, %dma_start3A_112] : memref<200x32x128xi32, #tpu.memory_space<hbm>> -> memref<1x32x128xi32, #tpu.memory_space<hbm>>
    %dma_start3A_114 = tpu.memref_squeeze %dma_start3A_113 : memref<1x32x128xi32, #tpu.memory_space<hbm>> -> memref<32x128xi32, #tpu.memory_space<hbm>>
    %dma_start3A_115 = arith.constant 96 : i32
    %dma_start3A_116 = arith.constant 0 : i32
    %dma_start3A_117 = tpu.memref_slice %arg5[%dma_start3A_115, %dma_start3A_116] : memref<200x128xi32, #tpu.memory_space<vmem>> -> memref<32x128xi32, #tpu.memory_space<vmem>>
    %dma_start3A_118 = arith.constant 0 : i32
    %dma_start3A_119 = arith.constant 0 : i32
    %dma_start3A_120 = tpu.memref_slice %arg2[%add3A_107, %dma_start3A_118, %dma_start3A_119] : memref<200x32x128xi32, #tpu.memory_space<hbm>> -> memref<1x32x128xi32, #tpu.memory_space<hbm>>
    %dma_start3A_121 = tpu.memref_squeeze %dma_start3A_120 : memref<1x32x128xi32, #tpu.memory_space<hbm>> -> memref<32x128xi32, #tpu.memory_space<hbm>>
    tpu.enqueue_dma source(%dma_start3A_121 : memref<32x128xi32, #tpu.memory_space<hbm>>) target(%dma_start3A_117 : memref<32x128xi32, #tpu.memory_space<vmem>>) target_semaphore(%arg17 : memref<!tpu.dma_semaphore, #tpu.memory_space<semaphore_mem>>)
    %mul3A_122 = arith.constant 6 : i32
    %mul3A_123 = arith.muli %select_n3A_28, %mul3A_122 : i32
    %add3A_124 = arith.addi %mul3A_32, %mul3A_123 : i32
    %add3A_125 = arith.constant 4 : i32
    %add3A_126 = arith.addi %add3A_124, %add3A_125 : i32
    %dma_start3A_127 = arith.constant 128 : i32
    %dma_start3A_128 = arith.constant 0 : i32
    %dma_start3A_129 = tpu.memref_slice %arg5[%dma_start3A_127, %dma_start3A_128] : memref<200x128xi32, #tpu.memory_space<vmem>> -> memref<32x128xi32, #tpu.memory_space<vmem>>
    %dma_start3A_130 = arith.constant 0 : i32
    %dma_start3A_131 = arith.constant 0 : i32
    %dma_start3A_132 = tpu.memref_slice %arg2[%add3A_126, %dma_start3A_130, %dma_start3A_131] : memref<200x32x128xi32, #tpu.memory_space<hbm>> -> memref<1x32x128xi32, #tpu.memory_space<hbm>>
    %dma_start3A_133 = tpu.memref_squeeze %dma_start3A_132 : memref<1x32x128xi32, #tpu.memory_space<hbm>> -> memref<32x128xi32, #tpu.memory_space<hbm>>
    %dma_start3A_134 = arith.constant 128 : i32
    %dma_start3A_135 = arith.constant 0 : i32
    %dma_start3A_136 = tpu.memref_slice %arg5[%dma_start3A_134, %dma_start3A_135] : memref<200x128xi32, #tpu.memory_space<vmem>> -> memref<32x128xi32, #tpu.memory_space<vmem>>
    %dma_start3A_137 = arith.constant 0 : i32
    %dma_start3A_138 = arith.constant 0 : i32
    %dma_start3A_139 = tpu.memref_slice %arg2[%add3A_126, %dma_start3A_137, %dma_start3A_138] : memref<200x32x128xi32, #tpu.memory_space<hbm>> -> memref<1x32x128xi32, #tpu.memory_space<hbm>>
    %dma_start3A_140 = tpu.memref_squeeze %dma_start3A_139 : memref<1x32x128xi32, #tpu.memory_space<hbm>> -> memref<32x128xi32, #tpu.memory_space<hbm>>
    tpu.enqueue_dma source(%dma_start3A_140 : memref<32x128xi32, #tpu.memory_space<hbm>>) target(%dma_start3A_136 : memref<32x128xi32, #tpu.memory_space<vmem>>) target_semaphore(%arg17 : memref<!tpu.dma_semaphore, #tpu.memory_space<semaphore_mem>>)
    %mul3A_141 = arith.constant 6 : i32
    %mul3A_142 = arith.muli %select_n3A_28, %mul3A_141 : i32
    %add3A_143 = arith.addi %mul3A_32, %mul3A_142 : i32
    %add3A_144 = arith.constant 5 : i32
    %add3A_145 = arith.addi %add3A_143, %add3A_144 : i32
    %dma_start3A_146 = arith.constant 160 : i32
    %dma_start3A_147 = arith.constant 0 : i32
    %dma_start3A_148 = tpu.memref_slice %arg5[%dma_start3A_146, %dma_start3A_147] : memref<200x128xi32, #tpu.memory_space<vmem>> -> memref<32x128xi32, #tpu.memory_space<vmem>>
    %dma_start3A_149 = arith.constant 0 : i32
    %dma_start3A_150 = arith.constant 0 : i32
    %dma_start3A_151 = tpu.memref_slice %arg2[%add3A_145, %dma_start3A_149, %dma_start3A_150] : memref<200x32x128xi32, #tpu.memory_space<hbm>> -> memref<1x32x128xi32, #tpu.memory_space<hbm>>
    %dma_start3A_152 = tpu.memref_squeeze %dma_start3A_151 : memref<1x32x128xi32, #tpu.memory_space<hbm>> -> memref<32x128xi32, #tpu.memory_space<hbm>>
    %dma_start3A_153 = arith.constant 160 : i32
    %dma_start3A_154 = arith.constant 0 : i32
    %dma_start3A_155 = tpu.memref_slice %arg5[%dma_start3A_153, %dma_start3A_154] : memref<200x128xi32, #tpu.memory_space<vmem>> -> memref<32x128xi32, #tpu.memory_space<vmem>>
    %dma_start3A_156 = arith.constant 0 : i32
    %dma_start3A_157 = arith.constant 0 : i32
    %dma_start3A_158 = tpu.memref_slice %arg2[%add3A_145, %dma_start3A_156, %dma_start3A_157] : memref<200x32x128xi32, #tpu.memory_space<hbm>> -> memref<1x32x128xi32, #tpu.memory_space<hbm>>
    %dma_start3A_159 = tpu.memref_squeeze %dma_start3A_158 : memref<1x32x128xi32, #tpu.memory_space<hbm>> -> memref<32x128xi32, #tpu.memory_space<hbm>>
    tpu.enqueue_dma source(%dma_start3A_159 : memref<32x128xi32, #tpu.memory_space<hbm>>) target(%dma_start3A_155 : memref<32x128xi32, #tpu.memory_space<vmem>>) target_semaphore(%arg17 : memref<!tpu.dma_semaphore, #tpu.memory_space<semaphore_mem>>)
    %mul3A_160 = arith.constant 8 : i32
    %mul3A_161 = arith.muli %select_n3A_28, %mul3A_160 : i32
    %dma_start3A_162 = arith.constant 192 : i32
    %dma_start3A_163 = arith.constant 0 : i32
    %dma_start3A_164 = tpu.memref_slice %arg5[%dma_start3A_162, %dma_start3A_163] : memref<200x128xi32, #tpu.memory_space<vmem>> -> memref<8x128xi32, #tpu.memory_space<vmem>>
    %dma_start3A_165 = arith.constant 0 : i32
    %dma_start3A_166 = tpu.memref_slice %arg2[%add3A_34, %mul3A_161, %dma_start3A_165] : memref<200x32x128xi32, #tpu.memory_space<hbm>> -> memref<1x8x128xi32, #tpu.memory_space<hbm>>
    %dma_start3A_167 = tpu.memref_squeeze %dma_start3A_166 : memref<1x8x128xi32, #tpu.memory_space<hbm>> -> memref<8x128xi32, #tpu.memory_space<hbm>>
    %dma_start3A_168 = arith.constant 192 : i32
    %dma_start3A_169 = arith.constant 0 : i32
    %dma_start3A_170 = tpu.memref_slice %arg5[%dma_start3A_168, %dma_start3A_169] : memref<200x128xi32, #tpu.memory_space<vmem>> -> memref<8x128xi32, #tpu.memory_space<vmem>>
    %dma_start3A_171 = arith.constant 0 : i32
    %dma_start3A_172 = tpu.memref_slice %arg2[%add3A_34, %mul3A_161, %dma_start3A_171] : memref<200x32x128xi32, #tpu.memory_space<hbm>> -> memref<1x8x128xi32, #tpu.memory_space<hbm>>
    %dma_start3A_173 = tpu.memref_squeeze %dma_start3A_172 : memref<1x8x128xi32, #tpu.memory_space<hbm>> -> memref<8x128xi32, #tpu.memory_space<hbm>>
    tpu.enqueue_dma source(%dma_start3A_173 : memref<8x128xi32, #tpu.memory_space<hbm>>) target(%dma_start3A_170 : memref<8x128xi32, #tpu.memory_space<vmem>>) target_semaphore(%arg17 : memref<!tpu.dma_semaphore, #tpu.memory_space<semaphore_mem>>)
    %mul3A_174 = arith.constant 6 : i32
    %mul3A_175 = arith.muli %select_n3A_28, %mul3A_174 : i32
    %add3A_176 = arith.addi %mul3A_32, %mul3A_175 : i32
    %add3A_177 = arith.constant 1 : i32
    %add3A_178 = arith.addi %add3A_176, %add3A_177 : i32
    %dma_wait3A = arith.constant 32 : i32
    %dma_wait3A_179 = arith.constant 0 : i32
    %dma_wait3A_180 = tpu.memref_slice %arg5[%dma_wait3A, %dma_wait3A_179] : memref<200x128xi32, #tpu.memory_space<vmem>> -> memref<32x128xi32, #tpu.memory_space<vmem>>
    %dma_wait3A_181 = arith.constant 0 : i32
    %dma_wait3A_182 = arith.constant 0 : i32
    %dma_wait3A_183 = tpu.memref_slice %arg2[%add3A_178, %dma_wait3A_181, %dma_wait3A_182] : memref<200x32x128xi32, #tpu.memory_space<hbm>> -> memref<1x32x128xi32, #tpu.memory_space<hbm>>
    %dma_wait3A_184 = tpu.memref_squeeze %dma_wait3A_183 : memref<1x32x128xi32, #tpu.memory_space<hbm>> -> memref<32x128xi32, #tpu.memory_space<hbm>>
    %dma_wait3A_185 = arith.constant 32 : i32
    %dma_wait3A_186 = arith.constant 0 : i32
    %dma_wait3A_187 = tpu.memref_slice %arg5[%dma_wait3A_185, %dma_wait3A_186] : memref<200x128xi32, #tpu.memory_space<vmem>> -> memref<32x128xi32, #tpu.memory_space<vmem>>
    %dma_wait3A_188 = arith.constant 0 : i32
    %dma_wait3A_189 = arith.constant 0 : i32
    %dma_wait3A_190 = tpu.memref_slice %arg2[%add3A_178, %dma_wait3A_188, %dma_wait3A_189] : memref<200x32x128xi32, #tpu.memory_space<hbm>> -> memref<1x32x128xi32, #tpu.memory_space<hbm>>
    %dma_wait3A_191 = tpu.memref_squeeze %dma_wait3A_190 : memref<1x32x128xi32, #tpu.memory_space<hbm>> -> memref<32x128xi32, #tpu.memory_space<hbm>>
    tpu.wait_dma2 semaphore(%arg17 : memref<!tpu.dma_semaphore, #tpu.memory_space<semaphore_mem>>) src(%dma_wait3A_191 : memref<32x128xi32, #tpu.memory_space<hbm>>) dst(%dma_wait3A_187 : memref<32x128xi32, #tpu.memory_space<vmem>>)
    %mul3A_192 = arith.constant 6 : i32
    %mul3A_193 = arith.muli %select_n3A_28, %mul3A_192 : i32
    %add3A_194 = arith.addi %mul3A_32, %mul3A_193 : i32
    %add3A_195 = arith.constant 2 : i32
    %add3A_196 = arith.addi %add3A_194, %add3A_195 : i32
    %dma_wait3A_197 = arith.constant 64 : i32
    %dma_wait3A_198 = arith.constant 0 : i32
    %dma_wait3A_199 = tpu.memref_slice %arg5[%dma_wait3A_197, %dma_wait3A_198] : memref<200x128xi32, #tpu.memory_space<vmem>> -> memref<32x128xi32, #tpu.memory_space<vmem>>
    %dma_wait3A_200 = arith.constant 0 : i32
    %dma_wait3A_201 = arith.constant 0 : i32
    %dma_wait3A_202 = tpu.memref_slice %arg2[%add3A_196, %dma_wait3A_200, %dma_wait3A_201] : memref<200x32x128xi32, #tpu.memory_space<hbm>> -> memref<1x32x128xi32, #tpu.memory_space<hbm>>
    %dma_wait3A_203 = tpu.memref_squeeze %dma_wait3A_202 : memref<1x32x128xi32, #tpu.memory_space<hbm>> -> memref<32x128xi32, #tpu.memory_space<hbm>>
    %dma_wait3A_204 = arith.constant 64 : i32
    %dma_wait3A_205 = arith.constant 0 : i32
    %dma_wait3A_206 = tpu.memref_slice %arg5[%dma_wait3A_204, %dma_wait3A_205] : memref<200x128xi32, #tpu.memory_space<vmem>> -> memref<32x128xi32, #tpu.memory_space<vmem>>
    %dma_wait3A_207 = arith.constant 0 : i32
    %dma_wait3A_208 = arith.constant 0 : i32
    %dma_wait3A_209 = tpu.memref_slice %arg2[%add3A_196, %dma_wait3A_207, %dma_wait3A_208] : memref<200x32x128xi32, #tpu.memory_space<hbm>> -> memref<1x32x128xi32, #tpu.memory_space<hbm>>
    %dma_wait3A_210 = tpu.memref_squeeze %dma_wait3A_209 : memref<1x32x128xi32, #tpu.memory_space<hbm>> -> memref<32x128xi32, #tpu.memory_space<hbm>>
    tpu.wait_dma2 semaphore(%arg17 : memref<!tpu.dma_semaphore, #tpu.memory_space<semaphore_mem>>) src(%dma_wait3A_210 : memref<32x128xi32, #tpu.memory_space<hbm>>) dst(%dma_wait3A_206 : memref<32x128xi32, #tpu.memory_space<vmem>>)
    %mul3A_211 = arith.constant 6 : i32
    %mul3A_212 = arith.muli %select_n3A_28, %mul3A_211 : i32
    %add3A_213 = arith.addi %mul3A_32, %mul3A_212 : i32
    %add3A_214 = arith.constant 3 : i32
    %add3A_215 = arith.addi %add3A_213, %add3A_214 : i32
    %dma_wait3A_216 = arith.constant 96 : i32
    %dma_wait3A_217 = arith.constant 0 : i32
    %dma_wait3A_218 = tpu.memref_slice %arg5[%dma_wait3A_216, %dma_wait3A_217] : memref<200x128xi32, #tpu.memory_space<vmem>> -> memref<32x128xi32, #tpu.memory_space<vmem>>
    %dma_wait3A_219 = arith.constant 0 : i32
    %dma_wait3A_220 = arith.constant 0 : i32
    %dma_wait3A_221 = tpu.memref_slice %arg2[%add3A_215, %dma_wait3A_219, %dma_wait3A_220] : memref<200x32x128xi32, #tpu.memory_space<hbm>> -> memref<1x32x128xi32, #tpu.memory_space<hbm>>
    %dma_wait3A_222 = tpu.memref_squeeze %dma_wait3A_221 : memref<1x32x128xi32, #tpu.memory_space<hbm>> -> memref<32x128xi32, #tpu.memory_space<hbm>>
    %dma_wait3A_223 = arith.constant 96 : i32
    %dma_wait3A_224 = arith.constant 0 : i32
    %dma_wait3A_225 = tpu.memref_slice %arg5[%dma_wait3A_223, %dma_wait3A_224] : memref<200x128xi32, #tpu.memory_space<vmem>> -> memref<32x128xi32, #tpu.memory_space<vmem>>
    %dma_wait3A_226 = arith.constant 0 : i32
    %dma_wait3A_227 = arith.constant 0 : i32
    %dma_wait3A_228 = tpu.memref_slice %arg2[%add3A_215, %dma_wait3A_226, %dma_wait3A_227] : memref<200x32x128xi32, #tpu.memory_space<hbm>> -> memref<1x32x128xi32, #tpu.memory_space<hbm>>
    %dma_wait3A_229 = tpu.memref_squeeze %dma_wait3A_228 : memref<1x32x128xi32, #tpu.memory_space<hbm>> -> memref<32x128xi32, #tpu.memory_space<hbm>>
    tpu.wait_dma2 semaphore(%arg17 : memref<!tpu.dma_semaphore, #tpu.memory_space<semaphore_mem>>) src(%dma_wait3A_229 : memref<32x128xi32, #tpu.memory_space<hbm>>) dst(%dma_wait3A_225 : memref<32x128xi32, #tpu.memory_space<vmem>>)
    %mul3A_230 = arith.constant 6 : i32
    %mul3A_231 = arith.muli %select_n3A_28, %mul3A_230 : i32
    %add3A_232 = arith.addi %mul3A_32, %mul3A_231 : i32
    %add3A_233 = arith.constant 4 : i32
    %add3A_234 = arith.addi %add3A_232, %add3A_233 : i32
    %dma_wait3A_235 = arith.constant 128 : i32
    %dma_wait3A_236 = arith.constant 0 : i32
    %dma_wait3A_237 = tpu.memref_slice %arg5[%dma_wait3A_235, %dma_wait3A_236] : memref<200x128xi32, #tpu.memory_space<vmem>> -> memref<32x128xi32, #tpu.memory_space<vmem>>
    %dma_wait3A_238 = arith.constant 0 : i32
    %dma_wait3A_239 = arith.constant 0 : i32
    %dma_wait3A_240 = tpu.memref_slice %arg2[%add3A_234, %dma_wait3A_238, %dma_wait3A_239] : memref<200x32x128xi32, #tpu.memory_space<hbm>> -> memref<1x32x128xi32, #tpu.memory_space<hbm>>
    %dma_wait3A_241 = tpu.memref_squeeze %dma_wait3A_240 : memref<1x32x128xi32, #tpu.memory_space<hbm>> -> memref<32x128xi32, #tpu.memory_space<hbm>>
    %dma_wait3A_242 = arith.constant 128 : i32
    %dma_wait3A_243 = arith.constant 0 : i32
    %dma_wait3A_244 = tpu.memref_slice %arg5[%dma_wait3A_242, %dma_wait3A_243] : memref<200x128xi32, #tpu.memory_space<vmem>> -> memref<32x128xi32, #tpu.memory_space<vmem>>
    %dma_wait3A_245 = arith.constant 0 : i32
    %dma_wait3A_246 = arith.constant 0 : i32
    %dma_wait3A_247 = tpu.memref_slice %arg2[%add3A_234, %dma_wait3A_245, %dma_wait3A_246] : memref<200x32x128xi32, #tpu.memory_space<hbm>> -> memref<1x32x128xi32, #tpu.memory_space<hbm>>
    %dma_wait3A_248 = tpu.memref_squeeze %dma_wait3A_247 : memref<1x32x128xi32, #tpu.memory_space<hbm>> -> memref<32x128xi32, #tpu.memory_space<hbm>>
    tpu.wait_dma2 semaphore(%arg17 : memref<!tpu.dma_semaphore, #tpu.memory_space<semaphore_mem>>) src(%dma_wait3A_248 : memref<32x128xi32, #tpu.memory_space<hbm>>) dst(%dma_wait3A_244 : memref<32x128xi32, #tpu.memory_space<vmem>>)
    %mul3A_249 = arith.constant 6 : i32
    %mul3A_250 = arith.muli %select_n3A_28, %mul3A_249 : i32
    %add3A_251 = arith.addi %mul3A_32, %mul3A_250 : i32
    %add3A_252 = arith.constant 5 : i32
    %add3A_253 = arith.addi %add3A_251, %add3A_252 : i32
    %dma_wait3A_254 = arith.constant 160 : i32
    %dma_wait3A_255 = arith.constant 0 : i32
    %dma_wait3A_256 = tpu.memref_slice %arg5[%dma_wait3A_254, %dma_wait3A_255] : memref<200x128xi32, #tpu.memory_space<vmem>> -> memref<32x128xi32, #tpu.memory_space<vmem>>
    %dma_wait3A_257 = arith.constant 0 : i32
    %dma_wait3A_258 = arith.constant 0 : i32
    %dma_wait3A_259 = tpu.memref_slice %arg2[%add3A_253, %dma_wait3A_257, %dma_wait3A_258] : memref<200x32x128xi32, #tpu.memory_space<hbm>> -> memref<1x32x128xi32, #tpu.memory_space<hbm>>
    %dma_wait3A_260 = tpu.memref_squeeze %dma_wait3A_259 : memref<1x32x128xi32, #tpu.memory_space<hbm>> -> memref<32x128xi32, #tpu.memory_space<hbm>>
    %dma_wait3A_261 = arith.constant 160 : i32
    %dma_wait3A_262 = arith.constant 0 : i32
    %dma_wait3A_263 = tpu.memref_slice %arg5[%dma_wait3A_261, %dma_wait3A_262] : memref<200x128xi32, #tpu.memory_space<vmem>> -> memref<32x128xi32, #tpu.memory_space<vmem>>
    %dma_wait3A_264 = arith.constant 0 : i32
    %dma_wait3A_265 = arith.constant 0 : i32
    %dma_wait3A_266 = tpu.memref_slice %arg2[%add3A_253, %dma_wait3A_264, %dma_wait3A_265] : memref<200x32x128xi32, #tpu.memory_space<hbm>> -> memref<1x32x128xi32, #tpu.memory_space<hbm>>
    %dma_wait3A_267 = tpu.memref_squeeze %dma_wait3A_266 : memref<1x32x128xi32, #tpu.memory_space<hbm>> -> memref<32x128xi32, #tpu.memory_space<hbm>>
    tpu.wait_dma2 semaphore(%arg17 : memref<!tpu.dma_semaphore, #tpu.memory_space<semaphore_mem>>) src(%dma_wait3A_267 : memref<32x128xi32, #tpu.memory_space<hbm>>) dst(%dma_wait3A_263 : memref<32x128xi32, #tpu.memory_space<vmem>>)
    %mul3A_268 = arith.constant 8 : i32
    %mul3A_269 = arith.muli %select_n3A_28, %mul3A_268 : i32
    %dma_wait3A_270 = arith.constant 192 : i32
    %dma_wait3A_271 = arith.constant 0 : i32
    %dma_wait3A_272 = tpu.memref_slice %arg5[%dma_wait3A_270, %dma_wait3A_271] : memref<200x128xi32, #tpu.memory_space<vmem>> -> memref<8x128xi32, #tpu.memory_space<vmem>>
    %dma_wait3A_273 = arith.constant 0 : i32
    %dma_wait3A_274 = tpu.memref_slice %arg2[%add3A_34, %mul3A_269, %dma_wait3A_273] : memref<200x32x128xi32, #tpu.memory_space<hbm>> -> memref<1x8x128xi32, #tpu.memory_space<hbm>>
    %dma_wait3A_275 = tpu.memref_squeeze %dma_wait3A_274 : memref<1x8x128xi32, #tpu.memory_space<hbm>> -> memref<8x128xi32, #tpu.memory_space<hbm>>
    %dma_wait3A_276 = arith.constant 192 : i32
    %dma_wait3A_277 = arith.constant 0 : i32
    %dma_wait3A_278 = tpu.memref_slice %arg5[%dma_wait3A_276, %dma_wait3A_277] : memref<200x128xi32, #tpu.memory_space<vmem>> -> memref<8x128xi32, #tpu.memory_space<vmem>>
    %dma_wait3A_279 = arith.constant 0 : i32
    %dma_wait3A_280 = tpu.memref_slice %arg2[%add3A_34, %mul3A_269, %dma_wait3A_279] : memref<200x32x128xi32, #tpu.memory_space<hbm>> -> memref<1x8x128xi32, #tpu.memory_space<hbm>>
    %dma_wait3A_281 = tpu.memref_squeeze %dma_wait3A_280 : memref<1x8x128xi32, #tpu.memory_space<hbm>> -> memref<8x128xi32, #tpu.memory_space<hbm>>
    tpu.wait_dma2 semaphore(%arg17 : memref<!tpu.dma_semaphore, #tpu.memory_space<semaphore_mem>>) src(%dma_wait3A_281 : memref<8x128xi32, #tpu.memory_space<hbm>>) dst(%dma_wait3A_278 : memref<8x128xi32, #tpu.memory_space<vmem>>)
    %broadcast_in_dim3A = arith.constant 0.000000e+00 : f32
    %broadcast_in_dim3A_282 = vector.broadcast %broadcast_in_dim3A : f32 to vector<16xf32>
    %scan3A = arith.constant 0 : i32
    %scan3A_283 = arith.constant 50 : i32
    %scan3A_284 = arith.addi %scan3A, %scan3A_283 : i32
    %scan3A_285 = arith.constant 1 : i32
    %scan3A_286:8 = scf.for %scan3A_446 = %scan3A to %scan3A_284 step %scan3A_285 iter_args(%scan3A_447 = %broadcast_in_dim3A_282, %scan3A_448 = %broadcast_in_dim3A_282, %scan3A_449 = %broadcast_in_dim3A_282, %scan3A_450 = %broadcast_in_dim3A_282, %scan3A_451 = %broadcast_in_dim3A_282, %scan3A_452 = %broadcast_in_dim3A_282, %scan3A_453 = %broadcast_in_dim3A_282, %scan3A_454 = %broadcast_in_dim3A_282) -> (vector<16xf32>, vector<16xf32>, vector<16xf32>, vector<16xf32>, vector<16xf32>, vector<16xf32>, vector<16xf32>, vector<16xf32>)  : i32 {
      %mul3A_455 = arith.constant 4 : i32
      %mul3A_456 = arith.muli %mul3A_455, %scan3A_446 : i32
      %dma_wait3A_457 = arith.constant 0 : i32
      %dma_wait3A_458 = tpu.memref_slice %arg5[%mul3A_456, %dma_wait3A_457] : memref<200x128xi32, #tpu.memory_space<vmem>> -> memref<1x128xi32, #tpu.memory_space<vmem>>
      %dma_wait3A_459 = tpu.memref_squeeze %dma_wait3A_458 : memref<1x128xi32, #tpu.memory_space<vmem>> -> memref<128xi32, #tpu.memory_space<vmem>>
      %dma_wait3A_460 = arith.constant 0 : i32
      %dma_wait3A_461 = arith.constant 0 : i32
      %dma_wait3A_462 = tpu.memref_slice %arg3[%dma_wait3A_460, %dma_wait3A_461] : memref<1000000x128xf32, #tpu.memory_space<hbm>> -> memref<1000000x128xf32, #tpu.memory_space<hbm>>
      tpu.wait_indirect_dma semaphore(%arg13 : memref<!tpu.dma_semaphore, #tpu.memory_space<semaphore_mem>>) src(%dma_wait3A_462 : memref<1000000x128xf32, #tpu.memory_space<hbm>>) dst(%arg6 : memref<128x128xf32, #tpu.memory_space<vmem>>)
      %scan3A_463 = arith.constant 0 : i32
      %scan3A_464 = arith.constant 64 : i32
      %scan3A_465 = arith.addi %scan3A_463, %scan3A_464 : i32
      %scan3A_466 = arith.constant 1 : i32
      %scan3A_467:8 = scf.for %scan3A_631 = %scan3A_463 to %scan3A_465 step %scan3A_466 iter_args(%scan3A_632 = %scan3A_447, %scan3A_633 = %scan3A_448, %scan3A_634 = %scan3A_449, %scan3A_635 = %scan3A_450, %scan3A_636 = %scan3A_451, %scan3A_637 = %scan3A_452, %scan3A_638 = %scan3A_453, %scan3A_639 = %scan3A_454) -> (vector<16xf32>, vector<16xf32>, vector<16xf32>, vector<16xf32>, vector<16xf32>, vector<16xf32>, vector<16xf32>, vector<16xf32>)  : i32 {
        %mul3A_640 = arith.constant 2 : i32
        %mul3A_641 = arith.muli %mul3A_640, %scan3A_631 : i32
        %get3A = arith.index_cast %mul3A_641 : i32 to index
        %get3A_642 = arith.constant 0 : index
        %get3A_643 = tpu.vector_load %arg6[%get3A, %get3A_642] {strides = array<i32>} : memref<128x128xf32, #tpu.memory_space<vmem>>, vector<1x16xf32>,
        %get3A_644 = vector.shape_cast %get3A_643 : vector<1x16xf32> to vector<16xf32>
        %add3A_645 = arith.addf %scan3A_632, %get3A_644 : vector<16xf32>
        %get3A_646 = arith.index_cast %mul3A_641 : i32 to index
        %get3A_647 = arith.constant 16 : index
        %get3A_648 = tpu.vector_load %arg6[%get3A_646, %get3A_647] {strides = array<i32>} : memref<128x128xf32, #tpu.memory_space<vmem>>, vector<1x16xf32>,
        %get3A_649 = vector.shape_cast %get3A_648 : vector<1x16xf32> to vector<16xf32>
        %add3A_650 = arith.addf %scan3A_633, %get3A_649 : vector<16xf32>
        %get3A_651 = arith.index_cast %mul3A_641 : i32 to index
        %get3A_652 = arith.constant 32 : index
        %get3A_653 = tpu.vector_load %arg6[%get3A_651, %get3A_652] {strides = array<i32>} : memref<128x128xf32, #tpu.memory_space<vmem>>, vector<1x16xf32>,
        %get3A_654 = vector.shape_cast %get3A_653 : vector<1x16xf32> to vector<16xf32>
        %add3A_655 = arith.addf %scan3A_634, %get3A_654 : vector<16xf32>
        %get3A_656 = arith.index_cast %mul3A_641 : i32 to index
        %get3A_657 = arith.constant 48 : index
        %get3A_658 = tpu.vector_load %arg6[%get3A_656, %get3A_657] {strides = array<i32>} : memref<128x128xf32, #tpu.memory_space<vmem>>, vector<1x16xf32>,
        %get3A_659 = vector.shape_cast %get3A_658 : vector<1x16xf32> to vector<16xf32>
        %add3A_660 = arith.addf %scan3A_635, %get3A_659 : vector<16xf32>
        %get3A_661 = arith.index_cast %mul3A_641 : i32 to index
        %get3A_662 = arith.constant 64 : index
        %get3A_663 = tpu.vector_load %arg6[%get3A_661, %get3A_662] {strides = array<i32>} : memref<128x128xf32, #tpu.memory_space<vmem>>, vector<1x16xf32>,
        %get3A_664 = vector.shape_cast %get3A_663 : vector<1x16xf32> to vector<16xf32>
        %add3A_665 = arith.addf %scan3A_636, %get3A_664 : vector<16xf32>
        %get3A_666 = arith.index_cast %mul3A_641 : i32 to index
        %get3A_667 = arith.constant 80 : index
        %get3A_668 = tpu.vector_load %arg6[%get3A_666, %get3A_667] {strides = array<i32>} : memref<128x128xf32, #tpu.memory_space<vmem>>, vector<1x16xf32>,
        %get3A_669 = vector.shape_cast %get3A_668 : vector<1x16xf32> to vector<16xf32>
        %add3A_670 = arith.addf %scan3A_637, %get3A_669 : vector<16xf32>
        %get3A_671 = arith.index_cast %mul3A_641 : i32 to index
        %get3A_672 = arith.constant 96 : index
        %get3A_673 = tpu.vector_load %arg6[%get3A_671, %get3A_672] {strides = array<i32>} : memref<128x128xf32, #tpu.memory_space<vmem>>, vector<1x16xf32>,
        %get3A_674 = vector.shape_cast %get3A_673 : vector<1x16xf32> to vector<16xf32>
        %add3A_675 = arith.addf %scan3A_638, %get3A_674 : vector<16xf32>
        %get3A_676 = arith.index_cast %mul3A_641 : i32 to index
        %get3A_677 = arith.constant 112 : index
        %get3A_678 = tpu.vector_load %arg6[%get3A_676, %get3A_677] {strides = array<i32>} : memref<128x128xf32, #tpu.memory_space<vmem>>, vector<1x16xf32>,
        %get3A_679 = vector.shape_cast %get3A_678 : vector<1x16xf32> to vector<16xf32>
        %add3A_680 = arith.addf %scan3A_639, %get3A_679 : vector<16xf32>
        %add3A_681 = arith.constant 1 : i32
        %add3A_682 = arith.addi %mul3A_641, %add3A_681 : i32
        %get3A_683 = arith.index_cast %add3A_682 : i32 to index
        %get3A_684 = arith.constant 0 : index
        %get3A_685 = tpu.vector_load %arg6[%get3A_683, %get3A_684] {strides = array<i32>} : memref<128x128xf32, #tpu.memory_space<vmem>>, vector<1x16xf32>,
        %get3A_686 = vector.shape_cast %get3A_685 : vector<1x16xf32> to vector<16xf32>
        %add3A_687 = arith.addf %add3A_645, %get3A_686 : vector<16xf32>
        %add3A_688 = arith.constant 1 : i32
        %add3A_689 = arith.addi %mul3A_641, %add3A_688 : i32
        %get3A_690 = arith.index_cast %add3A_689 : i32 to index
        %get3A_691 = arith.constant 16 : index
        %get3A_692 = tpu.vector_load %arg6[%get3A_690, %get3A_691] {strides = array<i32>} : memref<128x128xf32, #tpu.memory_space<vmem>>, vector<1x16xf32>,
        %get3A_693 = vector.shape_cast %get3A_692 : vector<1x16xf32> to vector<16xf32>
        %add3A_694 = arith.addf %add3A_650, %get3A_693 : vector<16xf32>
        %add3A_695 = arith.constant 1 : i32
        %add3A_696 = arith.addi %mul3A_641, %add3A_695 : i32
        %get3A_697 = arith.index_cast %add3A_696 : i32 to index
        %get3A_698 = arith.constant 32 : index
        %get3A_699 = tpu.vector_load %arg6[%get3A_697, %get3A_698] {strides = array<i32>} : memref<128x128xf32, #tpu.memory_space<vmem>>, vector<1x16xf32>,
        %get3A_700 = vector.shape_cast %get3A_699 : vector<1x16xf32> to vector<16xf32>
        %add3A_701 = arith.addf %add3A_655, %get3A_700 : vector<16xf32>
        %add3A_702 = arith.constant 1 : i32
        %add3A_703 = arith.addi %mul3A_641, %add3A_702 : i32
        %get3A_704 = arith.index_cast %add3A_703 : i32 to index
        %get3A_705 = arith.constant 48 : index
        %get3A_706 = tpu.vector_load %arg6[%get3A_704, %get3A_705] {strides = array<i32>} : memref<128x128xf32, #tpu.memory_space<vmem>>, vector<1x16xf32>,
        %get3A_707 = vector.shape_cast %get3A_706 : vector<1x16xf32> to vector<16xf32>
        %add3A_708 = arith.addf %add3A_660, %get3A_707 : vector<16xf32>
        %add3A_709 = arith.constant 1 : i32
        %add3A_710 = arith.addi %mul3A_641, %add3A_709 : i32
        %get3A_711 = arith.index_cast %add3A_710 : i32 to index
        %get3A_712 = arith.constant 64 : index
        %get3A_713 = tpu.vector_load %arg6[%get3A_711, %get3A_712] {strides = array<i32>} : memref<128x128xf32, #tpu.memory_space<vmem>>, vector<1x16xf32>,
        %get3A_714 = vector.shape_cast %get3A_713 : vector<1x16xf32> to vector<16xf32>
        %add3A_715 = arith.addf %add3A_665, %get3A_714 : vector<16xf32>
        %add3A_716 = arith.constant 1 : i32
        %add3A_717 = arith.addi %mul3A_641, %add3A_716 : i32
        %get3A_718 = arith.index_cast %add3A_717 : i32 to index
        %get3A_719 = arith.constant 80 : index
        %get3A_720 = tpu.vector_load %arg6[%get3A_718, %get3A_719] {strides = array<i32>} : memref<128x128xf32, #tpu.memory_space<vmem>>, vector<1x16xf32>,
        %get3A_721 = vector.shape_cast %get3A_720 : vector<1x16xf32> to vector<16xf32>
        %add3A_722 = arith.addf %add3A_670, %get3A_721 : vector<16xf32>
        %add3A_723 = arith.constant 1 : i32
        %add3A_724 = arith.addi %mul3A_641, %add3A_723 : i32
        %get3A_725 = arith.index_cast %add3A_724 : i32 to index
        %get3A_726 = arith.constant 96 : index
        %get3A_727 = tpu.vector_load %arg6[%get3A_725, %get3A_726] {strides = array<i32>} : memref<128x128xf32, #tpu.memory_space<vmem>>, vector<1x16xf32>,
        %get3A_728 = vector.shape_cast %get3A_727 : vector<1x16xf32> to vector<16xf32>
        %add3A_729 = arith.addf %add3A_675, %get3A_728 : vector<16xf32>
        %add3A_730 = arith.constant 1 : i32
        %add3A_731 = arith.addi %mul3A_641, %add3A_730 : i32
        %get3A_732 = arith.index_cast %add3A_731 : i32 to index
        %get3A_733 = arith.constant 112 : index
        %get3A_734 = tpu.vector_load %arg6[%get3A_732, %get3A_733] {strides = array<i32>} : memref<128x128xf32, #tpu.memory_space<vmem>>, vector<1x16xf32>,
        %get3A_735 = vector.shape_cast %get3A_734 : vector<1x16xf32> to vector<16xf32>
        %add3A_736 = arith.addf %add3A_680, %get3A_735 : vector<16xf32>
        scf.yield %add3A_687, %add3A_694, %add3A_701, %add3A_708, %add3A_715, %add3A_722, %add3A_729, %add3A_736 : vector<16xf32>, vector<16xf32>, vector<16xf32>, vector<16xf32>, vector<16xf32>, vector<16xf32>, vector<16xf32>, vector<16xf32>
      }
      %scan3A_468 = arith.constant 64 : i32
      %add3A_469 = arith.constant 4 : i32
      %add3A_470 = arith.addi %mul3A_456, %add3A_469 : i32
      %lt3A_471 = arith.constant 200 : i32
      %lt3A_472 = arith.cmpi slt, %add3A_470, %lt3A_471 : i32
      %convert_element_type3A_473 = arith.extui %lt3A_472 : i1 to i32
      %cond3A_474 = arith.constant 0 : i32
      %cond3A_475 = arith.cmpi ne, %convert_element_type3A_473, %cond3A_474 : i32
      scf.if %cond3A_475 {
        %add3A_631 = arith.constant 4 : i32
        %add3A_632 = arith.addi %mul3A_456, %add3A_631 : i32
        %dma_start3A_633 = arith.constant 0 : i32
        %dma_start3A_634 = tpu.memref_slice %arg5[%add3A_632, %dma_start3A_633] : memref<200x128xi32, #tpu.memory_space<vmem>> -> memref<1x128xi32, #tpu.memory_space<vmem>>
        %dma_start3A_635 = tpu.memref_squeeze %dma_start3A_634 : memref<1x128xi32, #tpu.memory_space<vmem>> -> memref<128xi32, #tpu.memory_space<vmem>>
        %dma_start3A_636 = arith.constant 0 : i32
        %dma_start3A_637 = arith.constant 0 : i32
        %dma_start3A_638 = tpu.memref_slice %arg3[%dma_start3A_636, %dma_start3A_637] : memref<1000000x128xf32, #tpu.memory_space<hbm>> -> memref<1000000x128xf32, #tpu.memory_space<hbm>>
        tpu.enqueue_indirect_dma source(%dma_start3A_638 : memref<1000000x128xf32, #tpu.memory_space<hbm>>) target(%arg6 : memref<128x128xf32, #tpu.memory_space<vmem>>) offsets(%dma_start3A_635 : memref<128xi32, #tpu.memory_space<vmem>>) semaphore(%arg13 : memref<!tpu.dma_semaphore, #tpu.memory_space<semaphore_mem>>)
      } else {
      }
      %add3A_476 = arith.constant 1 : i32
      %add3A_477 = arith.addi %mul3A_456, %add3A_476 : i32
      %rem3A_478 = arith.constant 32 : i32
      %rem3A_479 = arith.remsi %add3A_477, %rem3A_478 : i32
      %eq3A_480 = arith.constant 0 : i32
      %eq3A_481 = arith.cmpi eq, %rem3A_479, %eq3A_480 : i32
      %add3A_482 = arith.constant 1 : i32
      %add3A_483 = arith.addi %mul3A_456, %add3A_482 : i32
      %div3A_484 = arith.constant 32 : i32
      %div3A_485 = arith.divsi %add3A_483, %div3A_484 : i32
      %sub3A_486 = arith.constant 1 : i32
      %sub3A_487 = arith.subi %div3A_485, %sub3A_486 : i32
      %convert_element_type3A_488 = arith.extui %eq3A_481 : i1 to i32
      %cond3A_489 = arith.constant 0 : i32
      %cond3A_490 = arith.cmpi ne, %convert_element_type3A_488, %cond3A_489 : i32
      scf.if %cond3A_490 {
        %swap3A_631 = arith.index_cast %sub3A_487 : i32 to index
        %swap3A_632 = arith.constant 0 : index
        %swap3A_633 = tpu.vector_load %arg10[%swap3A_631, %swap3A_632] {strides = array<i32>} : memref<7x128xf32, #tpu.memory_space<vmem>>, vector<1x16xf32>,
        %swap3A_634 = vector.shape_cast %swap3A_633 : vector<1x16xf32> to vector<16xf32>
        %swap3A_635 = vector.shape_cast %scan3A_467#0 : vector<16xf32> to vector<1x16xf32>
        tpu.vector_store %arg10[%swap3A_631, %swap3A_632], %swap3A_635 {strides = array<i32>} : memref<7x128xf32, #tpu.memory_space<vmem>>, vector<1x16xf32>,
        %swap3A_636 = arith.index_cast %sub3A_487 : i32 to index
        %swap3A_637 = arith.constant 16 : index
        %swap3A_638 = tpu.vector_load %arg10[%swap3A_636, %swap3A_637] {strides = array<i32>} : memref<7x128xf32, #tpu.memory_space<vmem>>, vector<1x16xf32>,
        %swap3A_639 = vector.shape_cast %swap3A_638 : vector<1x16xf32> to vector<16xf32>
        %swap3A_640 = vector.shape_cast %scan3A_467#1 : vector<16xf32> to vector<1x16xf32>
        tpu.vector_store %arg10[%swap3A_636, %swap3A_637], %swap3A_640 {strides = array<i32>} : memref<7x128xf32, #tpu.memory_space<vmem>>, vector<1x16xf32>,
        %swap3A_641 = arith.index_cast %sub3A_487 : i32 to index
        %swap3A_642 = arith.constant 32 : index
        %swap3A_643 = tpu.vector_load %arg10[%swap3A_641, %swap3A_642] {strides = array<i32>} : memref<7x128xf32, #tpu.memory_space<vmem>>, vector<1x16xf32>,
        %swap3A_644 = vector.shape_cast %swap3A_643 : vector<1x16xf32> to vector<16xf32>
        %swap3A_645 = vector.shape_cast %scan3A_467#2 : vector<16xf32> to vector<1x16xf32>
        tpu.vector_store %arg10[%swap3A_641, %swap3A_642], %swap3A_645 {strides = array<i32>} : memref<7x128xf32, #tpu.memory_space<vmem>>, vector<1x16xf32>,
        %swap3A_646 = arith.index_cast %sub3A_487 : i32 to index
        %swap3A_647 = arith.constant 48 : index
        %swap3A_648 = tpu.vector_load %arg10[%swap3A_646, %swap3A_647] {strides = array<i32>} : memref<7x128xf32, #tpu.memory_space<vmem>>, vector<1x16xf32>,
        %swap3A_649 = vector.shape_cast %swap3A_648 : vector<1x16xf32> to vector<16xf32>
        %swap3A_650 = vector.shape_cast %scan3A_467#3 : vector<16xf32> to vector<1x16xf32>
        tpu.vector_store %arg10[%swap3A_646, %swap3A_647], %swap3A_650 {strides = array<i32>} : memref<7x128xf32, #tpu.memory_space<vmem>>, vector<1x16xf32>,
        %swap3A_651 = arith.index_cast %sub3A_487 : i32 to index
        %swap3A_652 = arith.constant 64 : index
        %swap3A_653 = tpu.vector_load %arg10[%swap3A_651, %swap3A_652] {strides = array<i32>} : memref<7x128xf32, #tpu.memory_space<vmem>>, vector<1x16xf32>,
        %swap3A_654 = vector.shape_cast %swap3A_653 : vector<1x16xf32> to vector<16xf32>
        %swap3A_655 = vector.shape_cast %scan3A_467#4 : vector<16xf32> to vector<1x16xf32>
        tpu.vector_store %arg10[%swap3A_651, %swap3A_652], %swap3A_655 {strides = array<i32>} : memref<7x128xf32, #tpu.memory_space<vmem>>, vector<1x16xf32>,
        %swap3A_656 = arith.index_cast %sub3A_487 : i32 to index
        %swap3A_657 = arith.constant 80 : index
        %swap3A_658 = tpu.vector_load %arg10[%swap3A_656, %swap3A_657] {strides = array<i32>} : memref<7x128xf32, #tpu.memory_space<vmem>>, vector<1x16xf32>,
        %swap3A_659 = vector.shape_cast %swap3A_658 : vector<1x16xf32> to vector<16xf32>
        %swap3A_660 = vector.shape_cast %scan3A_467#5 : vector<16xf32> to vector<1x16xf32>
        tpu.vector_store %arg10[%swap3A_656, %swap3A_657], %swap3A_660 {strides = array<i32>} : memref<7x128xf32, #tpu.memory_space<vmem>>, vector<1x16xf32>,
        %swap3A_661 = arith.index_cast %sub3A_487 : i32 to index
        %swap3A_662 = arith.constant 96 : index
        %swap3A_663 = tpu.vector_load %arg10[%swap3A_661, %swap3A_662] {strides = array<i32>} : memref<7x128xf32, #tpu.memory_space<vmem>>, vector<1x16xf32>,
        %swap3A_664 = vector.shape_cast %swap3A_663 : vector<1x16xf32> to vector<16xf32>
        %swap3A_665 = vector.shape_cast %scan3A_467#6 : vector<16xf32> to vector<1x16xf32>
        tpu.vector_store %arg10[%swap3A_661, %swap3A_662], %swap3A_665 {strides = array<i32>} : memref<7x128xf32, #tpu.memory_space<vmem>>, vector<1x16xf32>,
        %swap3A_666 = arith.index_cast %sub3A_487 : i32 to index
        %swap3A_667 = arith.constant 112 : index
        %swap3A_668 = tpu.vector_load %arg10[%swap3A_666, %swap3A_667] {strides = array<i32>} : memref<7x128xf32, #tpu.memory_space<vmem>>, vector<1x16xf32>,
        %swap3A_669 = vector.shape_cast %swap3A_668 : vector<1x16xf32> to vector<16xf32>
        %swap3A_670 = vector.shape_cast %scan3A_467#7 : vector<16xf32> to vector<1x16xf32>
        tpu.vector_store %arg10[%swap3A_666, %swap3A_667], %swap3A_670 {strides = array<i32>} : memref<7x128xf32, #tpu.memory_space<vmem>>, vector<1x16xf32>,
        %mul3A_671 = arith.constant 6 : i32
        %mul3A_672 = arith.muli %select_n3A_28, %mul3A_671 : i32
        %add3A_673 = arith.addi %mul3A_32, %mul3A_672 : i32
        %add3A_674 = arith.addi %add3A_673, %sub3A_487 : i32
        %dma_start3A_675 = arith.constant 0 : i32
        %dma_start3A_676 = tpu.memref_slice %arg10[%sub3A_487, %dma_start3A_675] : memref<7x128xf32, #tpu.memory_space<vmem>> -> memref<1x128xf32, #tpu.memory_space<vmem>>
        %dma_start3A_677 = tpu.memref_squeeze %dma_start3A_676 : memref<1x128xf32, #tpu.memory_space<vmem>> -> memref<128xf32, #tpu.memory_space<vmem>>
        %dma_start3A_678 = arith.constant 0 : i32
        %dma_start3A_679 = tpu.memref_slice %arg4[%add3A_674, %dma_start3A_678] : memref<200x128xf32, #tpu.memory_space<hbm>> -> memref<1x128xf32, #tpu.memory_space<hbm>>
        %dma_start3A_680 = tpu.memref_squeeze %dma_start3A_679 : memref<1x128xf32, #tpu.memory_space<hbm>> -> memref<128xf32, #tpu.memory_space<hbm>>
        %dma_start3A_681 = arith.constant 0 : i32
        %dma_start3A_682 = tpu.memref_slice %arg4[%add3A_674, %dma_start3A_681] : memref<200x128xf32, #tpu.memory_space<hbm>> -> memref<1x128xf32, #tpu.memory_space<hbm>>
        %dma_start3A_683 = tpu.memref_squeeze %dma_start3A_682 : memref<1x128xf32, #tpu.memory_space<hbm>> -> memref<128xf32, #tpu.memory_space<hbm>>
        %dma_start3A_684 = arith.constant 0 : i32
        %dma_start3A_685 = tpu.memref_slice %arg10[%sub3A_487, %dma_start3A_684] : memref<7x128xf32, #tpu.memory_space<vmem>> -> memref<1x128xf32, #tpu.memory_space<vmem>>
        %dma_start3A_686 = tpu.memref_squeeze %dma_start3A_685 : memref<1x128xf32, #tpu.memory_space<vmem>> -> memref<128xf32, #tpu.memory_space<vmem>>
        tpu.enqueue_dma source(%dma_start3A_686 : memref<128xf32, #tpu.memory_space<vmem>>) target(%dma_start3A_683 : memref<128xf32, #tpu.memory_space<hbm>>) target_semaphore(%arg17 : memref<!tpu.dma_semaphore, #tpu.memory_space<semaphore_mem>>)
      } else {
      }
      %select_n3A_491 = arith.select %eq3A_481, %broadcast_in_dim3A_282, %scan3A_467#0 : vector<16xf32>
      %select_n3A_492 = arith.select %eq3A_481, %broadcast_in_dim3A_282, %scan3A_467#1 : vector<16xf32>
      %select_n3A_493 = arith.select %eq3A_481, %broadcast_in_dim3A_282, %scan3A_467#2 : vector<16xf32>
      %select_n3A_494 = arith.select %eq3A_481, %broadcast_in_dim3A_282, %scan3A_467#3 : vector<16xf32>
      %select_n3A_495 = arith.select %eq3A_481, %broadcast_in_dim3A_282, %scan3A_467#4 : vector<16xf32>
      %select_n3A_496 = arith.select %eq3A_481, %broadcast_in_dim3A_282, %scan3A_467#5 : vector<16xf32>
      %select_n3A_497 = arith.select %eq3A_481, %broadcast_in_dim3A_282, %scan3A_467#6 : vector<16xf32>
      %select_n3A_498 = arith.select %eq3A_481, %broadcast_in_dim3A_282, %scan3A_467#7 : vector<16xf32>
      %add3A_499 = arith.constant 1 : i32
      %add3A_500 = arith.addi %mul3A_456, %add3A_499 : i32
      %dma_wait3A_501 = arith.constant 0 : i32
      %dma_wait3A_502 = tpu.memref_slice %arg5[%add3A_500, %dma_wait3A_501] : memref<200x128xi32, #tpu.memory_space<vmem>> -> memref<1x128xi32, #tpu.memory_space<vmem>>
      %dma_wait3A_503 = tpu.memref_squeeze %dma_wait3A_502 : memref<1x128xi32, #tpu.memory_space<vmem>> -> memref<128xi32, #tpu.memory_space<vmem>>
      %dma_wait3A_504 = arith.constant 0 : i32
      %dma_wait3A_505 = arith.constant 0 : i32
      %dma_wait3A_506 = tpu.memref_slice %arg3[%dma_wait3A_504, %dma_wait3A_505] : memref<1000000x128xf32, #tpu.memory_space<hbm>> -> memref<1000000x128xf32, #tpu.memory_space<hbm>>
      tpu.wait_indirect_dma semaphore(%arg14 : memref<!tpu.dma_semaphore, #tpu.memory_space<semaphore_mem>>) src(%dma_wait3A_506 : memref<1000000x128xf32, #tpu.memory_space<hbm>>) dst(%arg7 : memref<128x128xf32, #tpu.memory_space<vmem>>)
      %scan3A_507 = arith.constant 0 : i32
      %scan3A_508 = arith.constant 64 : i32
      %scan3A_509 = arith.addi %scan3A_507, %scan3A_508 : i32
      %scan3A_510 = arith.constant 1 : i32
      %scan3A_511:8 = scf.for %scan3A_631 = %scan3A_507 to %scan3A_509 step %scan3A_510 iter_args(%scan3A_632 = %select_n3A_491, %scan3A_633 = %select_n3A_492, %scan3A_634 = %select_n3A_493, %scan3A_635 = %select_n3A_494, %scan3A_636 = %select_n3A_495, %scan3A_637 = %select_n3A_496, %scan3A_638 = %select_n3A_497, %scan3A_639 = %select_n3A_498) -> (vector<16xf32>, vector<16xf32>, vector<16xf32>, vector<16xf32>, vector<16xf32>, vector<16xf32>, vector<16xf32>, vector<16xf32>)  : i32 {
        %mul3A_640 = arith.constant 2 : i32
        %mul3A_641 = arith.muli %mul3A_640, %scan3A_631 : i32
        %get3A = arith.index_cast %mul3A_641 : i32 to index
        %get3A_642 = arith.constant 0 : index
        %get3A_643 = tpu.vector_load %arg7[%get3A, %get3A_642] {strides = array<i32>} : memref<128x128xf32, #tpu.memory_space<vmem>>, vector<1x16xf32>,
        %get3A_644 = vector.shape_cast %get3A_643 : vector<1x16xf32> to vector<16xf32>
        %add3A_645 = arith.addf %scan3A_632, %get3A_644 : vector<16xf32>
        %get3A_646 = arith.index_cast %mul3A_641 : i32 to index
        %get3A_647 = arith.constant 16 : index
        %get3A_648 = tpu.vector_load %arg7[%get3A_646, %get3A_647] {strides = array<i32>} : memref<128x128xf32, #tpu.memory_space<vmem>>, vector<1x16xf32>,
        %get3A_649 = vector.shape_cast %get3A_648 : vector<1x16xf32> to vector<16xf32>
        %add3A_650 = arith.addf %scan3A_633, %get3A_649 : vector<16xf32>
        %get3A_651 = arith.index_cast %mul3A_641 : i32 to index
        %get3A_652 = arith.constant 32 : index
        %get3A_653 = tpu.vector_load %arg7[%get3A_651, %get3A_652] {strides = array<i32>} : memref<128x128xf32, #tpu.memory_space<vmem>>, vector<1x16xf32>,
        %get3A_654 = vector.shape_cast %get3A_653 : vector<1x16xf32> to vector<16xf32>
        %add3A_655 = arith.addf %scan3A_634, %get3A_654 : vector<16xf32>
        %get3A_656 = arith.index_cast %mul3A_641 : i32 to index
        %get3A_657 = arith.constant 48 : index
        %get3A_658 = tpu.vector_load %arg7[%get3A_656, %get3A_657] {strides = array<i32>} : memref<128x128xf32, #tpu.memory_space<vmem>>, vector<1x16xf32>,
        %get3A_659 = vector.shape_cast %get3A_658 : vector<1x16xf32> to vector<16xf32>
        %add3A_660 = arith.addf %scan3A_635, %get3A_659 : vector<16xf32>
        %get3A_661 = arith.index_cast %mul3A_641 : i32 to index
        %get3A_662 = arith.constant 64 : index
        %get3A_663 = tpu.vector_load %arg7[%get3A_661, %get3A_662] {strides = array<i32>} : memref<128x128xf32, #tpu.memory_space<vmem>>, vector<1x16xf32>,
        %get3A_664 = vector.shape_cast %get3A_663 : vector<1x16xf32> to vector<16xf32>
        %add3A_665 = arith.addf %scan3A_636, %get3A_664 : vector<16xf32>
        %get3A_666 = arith.index_cast %mul3A_641 : i32 to index
        %get3A_667 = arith.constant 80 : index
        %get3A_668 = tpu.vector_load %arg7[%get3A_666, %get3A_667] {strides = array<i32>} : memref<128x128xf32, #tpu.memory_space<vmem>>, vector<1x16xf32>,
        %get3A_669 = vector.shape_cast %get3A_668 : vector<1x16xf32> to vector<16xf32>
        %add3A_670 = arith.addf %scan3A_637, %get3A_669 : vector<16xf32>
        %get3A_671 = arith.index_cast %mul3A_641 : i32 to index
        %get3A_672 = arith.constant 96 : index
        %get3A_673 = tpu.vector_load %arg7[%get3A_671, %get3A_672] {strides = array<i32>} : memref<128x128xf32, #tpu.memory_space<vmem>>, vector<1x16xf32>,
        %get3A_674 = vector.shape_cast %get3A_673 : vector<1x16xf32> to vector<16xf32>
        %add3A_675 = arith.addf %scan3A_638, %get3A_674 : vector<16xf32>
        %get3A_676 = arith.index_cast %mul3A_641 : i32 to index
        %get3A_677 = arith.constant 112 : index
        %get3A_678 = tpu.vector_load %arg7[%get3A_676, %get3A_677] {strides = array<i32>} : memref<128x128xf32, #tpu.memory_space<vmem>>, vector<1x16xf32>,
        %get3A_679 = vector.shape_cast %get3A_678 : vector<1x16xf32> to vector<16xf32>
        %add3A_680 = arith.addf %scan3A_639, %get3A_679 : vector<16xf32>
        %add3A_681 = arith.constant 1 : i32
        %add3A_682 = arith.addi %mul3A_641, %add3A_681 : i32
        %get3A_683 = arith.index_cast %add3A_682 : i32 to index
        %get3A_684 = arith.constant 0 : index
        %get3A_685 = tpu.vector_load %arg7[%get3A_683, %get3A_684] {strides = array<i32>} : memref<128x128xf32, #tpu.memory_space<vmem>>, vector<1x16xf32>,
        %get3A_686 = vector.shape_cast %get3A_685 : vector<1x16xf32> to vector<16xf32>
        %add3A_687 = arith.addf %add3A_645, %get3A_686 : vector<16xf32>
        %add3A_688 = arith.constant 1 : i32
        %add3A_689 = arith.addi %mul3A_641, %add3A_688 : i32
        %get3A_690 = arith.index_cast %add3A_689 : i32 to index
        %get3A_691 = arith.constant 16 : index
        %get3A_692 = tpu.vector_load %arg7[%get3A_690, %get3A_691] {strides = array<i32>} : memref<128x128xf32, #tpu.memory_space<vmem>>, vector<1x16xf32>,
        %get3A_693 = vector.shape_cast %get3A_692 : vector<1x16xf32> to vector<16xf32>
        %add3A_694 = arith.addf %add3A_650, %get3A_693 : vector<16xf32>
        %add3A_695 = arith.constant 1 : i32
        %add3A_696 = arith.addi %mul3A_641, %add3A_695 : i32
        %get3A_697 = arith.index_cast %add3A_696 : i32 to index
        %get3A_698 = arith.constant 32 : index
        %get3A_699 = tpu.vector_load %arg7[%get3A_697, %get3A_698] {strides = array<i32>} : memref<128x128xf32, #tpu.memory_space<vmem>>, vector<1x16xf32>,
        %get3A_700 = vector.shape_cast %get3A_699 : vector<1x16xf32> to vector<16xf32>
        %add3A_701 = arith.addf %add3A_655, %get3A_700 : vector<16xf32>
        %add3A_702 = arith.constant 1 : i32
        %add3A_703 = arith.addi %mul3A_641, %add3A_702 : i32
        %get3A_704 = arith.index_cast %add3A_703 : i32 to index
        %get3A_705 = arith.constant 48 : index
        %get3A_706 = tpu.vector_load %arg7[%get3A_704, %get3A_705] {strides = array<i32>} : memref<128x128xf32, #tpu.memory_space<vmem>>, vector<1x16xf32>,
        %get3A_707 = vector.shape_cast %get3A_706 : vector<1x16xf32> to vector<16xf32>
        %add3A_708 = arith.addf %add3A_660, %get3A_707 : vector<16xf32>
        %add3A_709 = arith.constant 1 : i32
        %add3A_710 = arith.addi %mul3A_641, %add3A_709 : i32
        %get3A_711 = arith.index_cast %add3A_710 : i32 to index
        %get3A_712 = arith.constant 64 : index
        %get3A_713 = tpu.vector_load %arg7[%get3A_711, %get3A_712] {strides = array<i32>} : memref<128x128xf32, #tpu.memory_space<vmem>>, vector<1x16xf32>,
        %get3A_714 = vector.shape_cast %get3A_713 : vector<1x16xf32> to vector<16xf32>
        %add3A_715 = arith.addf %add3A_665, %get3A_714 : vector<16xf32>
        %add3A_716 = arith.constant 1 : i32
        %add3A_717 = arith.addi %mul3A_641, %add3A_716 : i32
        %get3A_718 = arith.index_cast %add3A_717 : i32 to index
        %get3A_719 = arith.constant 80 : index
        %get3A_720 = tpu.vector_load %arg7[%get3A_718, %get3A_719] {strides = array<i32>} : memref<128x128xf32, #tpu.memory_space<vmem>>, vector<1x16xf32>,
        %get3A_721 = vector.shape_cast %get3A_720 : vector<1x16xf32> to vector<16xf32>
        %add3A_722 = arith.addf %add3A_670, %get3A_721 : vector<16xf32>
        %add3A_723 = arith.constant 1 : i32
        %add3A_724 = arith.addi %mul3A_641, %add3A_723 : i32
        %get3A_725 = arith.index_cast %add3A_724 : i32 to index
        %get3A_726 = arith.constant 96 : index
        %get3A_727 = tpu.vector_load %arg7[%get3A_725, %get3A_726] {strides = array<i32>} : memref<128x128xf32, #tpu.memory_space<vmem>>, vector<1x16xf32>,
        %get3A_728 = vector.shape_cast %get3A_727 : vector<1x16xf32> to vector<16xf32>
        %add3A_729 = arith.addf %add3A_675, %get3A_728 : vector<16xf32>
        %add3A_730 = arith.constant 1 : i32
        %add3A_731 = arith.addi %mul3A_641, %add3A_730 : i32
        %get3A_732 = arith.index_cast %add3A_731 : i32 to index
        %get3A_733 = arith.constant 112 : index
        %get3A_734 = tpu.vector_load %arg7[%get3A_732, %get3A_733] {strides = array<i32>} : memref<128x128xf32, #tpu.memory_space<vmem>>, vector<1x16xf32>,
        %get3A_735 = vector.shape_cast %get3A_734 : vector<1x16xf32> to vector<16xf32>
        %add3A_736 = arith.addf %add3A_680, %get3A_735 : vector<16xf32>
        scf.yield %add3A_687, %add3A_694, %add3A_701, %add3A_708, %add3A_715, %add3A_722, %add3A_729, %add3A_736 : vector<16xf32>, vector<16xf32>, vector<16xf32>, vector<16xf32>, vector<16xf32>, vector<16xf32>, vector<16xf32>, vector<16xf32>
      }
      %scan3A_512 = arith.constant 64 : i32
      %add3A_513 = arith.constant 4 : i32
      %add3A_514 = arith.addi %add3A_500, %add3A_513 : i32
      %lt3A_515 = arith.constant 200 : i32
      %lt3A_516 = arith.cmpi slt, %add3A_514, %lt3A_515 : i32
      %convert_element_type3A_517 = arith.extui %lt3A_516 : i1 to i32
      %cond3A_518 = arith.constant 0 : i32
      %cond3A_519 = arith.cmpi ne, %convert_element_type3A_517, %cond3A_518 : i32
      scf.if %cond3A_519 {
        %add3A_631 = arith.constant 4 : i32
        %add3A_632 = arith.addi %add3A_500, %add3A_631 : i32
        %dma_start3A_633 = arith.constant 0 : i32
        %dma_start3A_634 = tpu.memref_slice %arg5[%add3A_632, %dma_start3A_633] : memref<200x128xi32, #tpu.memory_space<vmem>> -> memref<1x128xi32, #tpu.memory_space<vmem>>
        %dma_start3A_635 = tpu.memref_squeeze %dma_start3A_634 : memref<1x128xi32, #tpu.memory_space<vmem>> -> memref<128xi32, #tpu.memory_space<vmem>>
        %dma_start3A_636 = arith.constant 0 : i32
        %dma_start3A_637 = arith.constant 0 : i32
        %dma_start3A_638 = tpu.memref_slice %arg3[%dma_start3A_636, %dma_start3A_637] : memref<1000000x128xf32, #tpu.memory_space<hbm>> -> memref<1000000x128xf32, #tpu.memory_space<hbm>>
        tpu.enqueue_indirect_dma source(%dma_start3A_638 : memref<1000000x128xf32, #tpu.memory_space<hbm>>) target(%arg7 : memref<128x128xf32, #tpu.memory_space<vmem>>) offsets(%dma_start3A_635 : memref<128xi32, #tpu.memory_space<vmem>>) semaphore(%arg14 : memref<!tpu.dma_semaphore, #tpu.memory_space<semaphore_mem>>)
      } else {
      }
      %add3A_520 = arith.constant 1 : i32
      %add3A_521 = arith.addi %add3A_500, %add3A_520 : i32
      %rem3A_522 = arith.constant 32 : i32
      %rem3A_523 = arith.remsi %add3A_521, %rem3A_522 : i32
      %eq3A_524 = arith.constant 0 : i32
      %eq3A_525 = arith.cmpi eq, %rem3A_523, %eq3A_524 : i32
      %add3A_526 = arith.constant 1 : i32
      %add3A_527 = arith.addi %add3A_500, %add3A_526 : i32
      %div3A_528 = arith.constant 32 : i32
      %div3A_529 = arith.divsi %add3A_527, %div3A_528 : i32
      %sub3A_530 = arith.constant 1 : i32
      %sub3A_531 = arith.subi %div3A_529, %sub3A_530 : i32
      %convert_element_type3A_532 = arith.extui %eq3A_525 : i1 to i32
      %cond3A_533 = arith.constant 0 : i32
      %cond3A_534 = arith.cmpi ne, %convert_element_type3A_532, %cond3A_533 : i32
      scf.if %cond3A_534 {
        %swap3A_631 = arith.index_cast %sub3A_531 : i32 to index
        %swap3A_632 = arith.constant 0 : index
        %swap3A_633 = tpu.vector_load %arg10[%swap3A_631, %swap3A_632] {strides = array<i32>} : memref<7x128xf32, #tpu.memory_space<vmem>>, vector<1x16xf32>,
        %swap3A_634 = vector.shape_cast %swap3A_633 : vector<1x16xf32> to vector<16xf32>
        %swap3A_635 = vector.shape_cast %scan3A_511#0 : vector<16xf32> to vector<1x16xf32>
        tpu.vector_store %arg10[%swap3A_631, %swap3A_632], %swap3A_635 {strides = array<i32>} : memref<7x128xf32, #tpu.memory_space<vmem>>, vector<1x16xf32>,
        %swap3A_636 = arith.index_cast %sub3A_531 : i32 to index
        %swap3A_637 = arith.constant 16 : index
        %swap3A_638 = tpu.vector_load %arg10[%swap3A_636, %swap3A_637] {strides = array<i32>} : memref<7x128xf32, #tpu.memory_space<vmem>>, vector<1x16xf32>,
        %swap3A_639 = vector.shape_cast %swap3A_638 : vector<1x16xf32> to vector<16xf32>
        %swap3A_640 = vector.shape_cast %scan3A_511#1 : vector<16xf32> to vector<1x16xf32>
        tpu.vector_store %arg10[%swap3A_636, %swap3A_637], %swap3A_640 {strides = array<i32>} : memref<7x128xf32, #tpu.memory_space<vmem>>, vector<1x16xf32>,
        %swap3A_641 = arith.index_cast %sub3A_531 : i32 to index
        %swap3A_642 = arith.constant 32 : index
        %swap3A_643 = tpu.vector_load %arg10[%swap3A_641, %swap3A_642] {strides = array<i32>} : memref<7x128xf32, #tpu.memory_space<vmem>>, vector<1x16xf32>,
        %swap3A_644 = vector.shape_cast %swap3A_643 : vector<1x16xf32> to vector<16xf32>
        %swap3A_645 = vector.shape_cast %scan3A_511#2 : vector<16xf32> to vector<1x16xf32>
        tpu.vector_store %arg10[%swap3A_641, %swap3A_642], %swap3A_645 {strides = array<i32>} : memref<7x128xf32, #tpu.memory_space<vmem>>, vector<1x16xf32>,
        %swap3A_646 = arith.index_cast %sub3A_531 : i32 to index
        %swap3A_647 = arith.constant 48 : index
        %swap3A_648 = tpu.vector_load %arg10[%swap3A_646, %swap3A_647] {strides = array<i32>} : memref<7x128xf32, #tpu.memory_space<vmem>>, vector<1x16xf32>,
        %swap3A_649 = vector.shape_cast %swap3A_648 : vector<1x16xf32> to vector<16xf32>
        %swap3A_650 = vector.shape_cast %scan3A_511#3 : vector<16xf32> to vector<1x16xf32>
        tpu.vector_store %arg10[%swap3A_646, %swap3A_647], %swap3A_650 {strides = array<i32>} : memref<7x128xf32, #tpu.memory_space<vmem>>, vector<1x16xf32>,
        %swap3A_651 = arith.index_cast %sub3A_531 : i32 to index
        %swap3A_652 = arith.constant 64 : index
        %swap3A_653 = tpu.vector_load %arg10[%swap3A_651, %swap3A_652] {strides = array<i32>} : memref<7x128xf32, #tpu.memory_space<vmem>>, vector<1x16xf32>,
        %swap3A_654 = vector.shape_cast %swap3A_653 : vector<1x16xf32> to vector<16xf32>
        %swap3A_655 = vector.shape_cast %scan3A_511#4 : vector<16xf32> to vector<1x16xf32>
        tpu.vector_store %arg10[%swap3A_651, %swap3A_652], %swap3A_655 {strides = array<i32>} : memref<7x128xf32, #tpu.memory_space<vmem>>, vector<1x16xf32>,
        %swap3A_656 = arith.index_cast %sub3A_531 : i32 to index
        %swap3A_657 = arith.constant 80 : index
        %swap3A_658 = tpu.vector_load %arg10[%swap3A_656, %swap3A_657] {strides = array<i32>} : memref<7x128xf32, #tpu.memory_space<vmem>>, vector<1x16xf32>,
        %swap3A_659 = vector.shape_cast %swap3A_658 : vector<1x16xf32> to vector<16xf32>
        %swap3A_660 = vector.shape_cast %scan3A_511#5 : vector<16xf32> to vector<1x16xf32>
        tpu.vector_store %arg10[%swap3A_656, %swap3A_657], %swap3A_660 {strides = array<i32>} : memref<7x128xf32, #tpu.memory_space<vmem>>, vector<1x16xf32>,
        %swap3A_661 = arith.index_cast %sub3A_531 : i32 to index
        %swap3A_662 = arith.constant 96 : index
        %swap3A_663 = tpu.vector_load %arg10[%swap3A_661, %swap3A_662] {strides = array<i32>} : memref<7x128xf32, #tpu.memory_space<vmem>>, vector<1x16xf32>,
        %swap3A_664 = vector.shape_cast %swap3A_663 : vector<1x16xf32> to vector<16xf32>
        %swap3A_665 = vector.shape_cast %scan3A_511#6 : vector<16xf32> to vector<1x16xf32>
        tpu.vector_store %arg10[%swap3A_661, %swap3A_662], %swap3A_665 {strides = array<i32>} : memref<7x128xf32, #tpu.memory_space<vmem>>, vector<1x16xf32>,
        %swap3A_666 = arith.index_cast %sub3A_531 : i32 to index
        %swap3A_667 = arith.constant 112 : index
        %swap3A_668 = tpu.vector_load %arg10[%swap3A_666, %swap3A_667] {strides = array<i32>} : memref<7x128xf32, #tpu.memory_space<vmem>>, vector<1x16xf32>,
        %swap3A_669 = vector.shape_cast %swap3A_668 : vector<1x16xf32> to vector<16xf32>
        %swap3A_670 = vector.shape_cast %scan3A_511#7 : vector<16xf32> to vector<1x16xf32>
        tpu.vector_store %arg10[%swap3A_666, %swap3A_667], %swap3A_670 {strides = array<i32>} : memref<7x128xf32, #tpu.memory_space<vmem>>, vector<1x16xf32>,
        %mul3A_671 = arith.constant 6 : i32
        %mul3A_672 = arith.muli %select_n3A_28, %mul3A_671 : i32
        %add3A_673 = arith.addi %mul3A_32, %mul3A_672 : i32
        %add3A_674 = arith.addi %add3A_673, %sub3A_531 : i32
        %dma_start3A_675 = arith.constant 0 : i32
        %dma_start3A_676 = tpu.memref_slice %arg10[%sub3A_531, %dma_start3A_675] : memref<7x128xf32, #tpu.memory_space<vmem>> -> memref<1x128xf32, #tpu.memory_space<vmem>>
        %dma_start3A_677 = tpu.memref_squeeze %dma_start3A_676 : memref<1x128xf32, #tpu.memory_space<vmem>> -> memref<128xf32, #tpu.memory_space<vmem>>
        %dma_start3A_678 = arith.constant 0 : i32
        %dma_start3A_679 = tpu.memref_slice %arg4[%add3A_674, %dma_start3A_678] : memref<200x128xf32, #tpu.memory_space<hbm>> -> memref<1x128xf32, #tpu.memory_space<hbm>>
        %dma_start3A_680 = tpu.memref_squeeze %dma_start3A_679 : memref<1x128xf32, #tpu.memory_space<hbm>> -> memref<128xf32, #tpu.memory_space<hbm>>
        %dma_start3A_681 = arith.constant 0 : i32
        %dma_start3A_682 = tpu.memref_slice %arg4[%add3A_674, %dma_start3A_681] : memref<200x128xf32, #tpu.memory_space<hbm>> -> memref<1x128xf32, #tpu.memory_space<hbm>>
        %dma_start3A_683 = tpu.memref_squeeze %dma_start3A_682 : memref<1x128xf32, #tpu.memory_space<hbm>> -> memref<128xf32, #tpu.memory_space<hbm>>
        %dma_start3A_684 = arith.constant 0 : i32
        %dma_start3A_685 = tpu.memref_slice %arg10[%sub3A_531, %dma_start3A_684] : memref<7x128xf32, #tpu.memory_space<vmem>> -> memref<1x128xf32, #tpu.memory_space<vmem>>
        %dma_start3A_686 = tpu.memref_squeeze %dma_start3A_685 : memref<1x128xf32, #tpu.memory_space<vmem>> -> memref<128xf32, #tpu.memory_space<vmem>>
        tpu.enqueue_dma source(%dma_start3A_686 : memref<128xf32, #tpu.memory_space<vmem>>) target(%dma_start3A_683 : memref<128xf32, #tpu.memory_space<hbm>>) target_semaphore(%arg17 : memref<!tpu.dma_semaphore, #tpu.memory_space<semaphore_mem>>)
      } else {
      }
      %select_n3A_535 = arith.select %eq3A_525, %broadcast_in_dim3A_282, %scan3A_511#0 : vector<16xf32>
      %select_n3A_536 = arith.select %eq3A_525, %broadcast_in_dim3A_282, %scan3A_511#1 : vector<16xf32>
      %select_n3A_537 = arith.select %eq3A_525, %broadcast_in_dim3A_282, %scan3A_511#2 : vector<16xf32>
      %select_n3A_538 = arith.select %eq3A_525, %broadcast_in_dim3A_282, %scan3A_511#3 : vector<16xf32>
      %select_n3A_539 = arith.select %eq3A_525, %broadcast_in_dim3A_282, %scan3A_511#4 : vector<16xf32>
      %select_n3A_540 = arith.select %eq3A_525, %broadcast_in_dim3A_282, %scan3A_511#5 : vector<16xf32>
      %select_n3A_541 = arith.select %eq3A_525, %broadcast_in_dim3A_282, %scan3A_511#6 : vector<16xf32>
      %select_n3A_542 = arith.select %eq3A_525, %broadcast_in_dim3A_282, %scan3A_511#7 : vector<16xf32>
      %add3A_543 = arith.constant 2 : i32
      %add3A_544 = arith.addi %mul3A_456, %add3A_543 : i32
      %dma_wait3A_545 = arith.constant 0 : i32
      %dma_wait3A_546 = tpu.memref_slice %arg5[%add3A_544, %dma_wait3A_545] : memref<200x128xi32, #tpu.memory_space<vmem>> -> memref<1x128xi32, #tpu.memory_space<vmem>>
      %dma_wait3A_547 = tpu.memref_squeeze %dma_wait3A_546 : memref<1x128xi32, #tpu.memory_space<vmem>> -> memref<128xi32, #tpu.memory_space<vmem>>
      %dma_wait3A_548 = arith.constant 0 : i32
      %dma_wait3A_549 = arith.constant 0 : i32
      %dma_wait3A_550 = tpu.memref_slice %arg3[%dma_wait3A_548, %dma_wait3A_549] : memref<1000000x128xf32, #tpu.memory_space<hbm>> -> memref<1000000x128xf32, #tpu.memory_space<hbm>>
      tpu.wait_indirect_dma semaphore(%arg15 : memref<!tpu.dma_semaphore, #tpu.memory_space<semaphore_mem>>) src(%dma_wait3A_550 : memref<1000000x128xf32, #tpu.memory_space<hbm>>) dst(%arg8 : memref<128x128xf32, #tpu.memory_space<vmem>>)
      %scan3A_551 = arith.constant 0 : i32
      %scan3A_552 = arith.constant 64 : i32
      %scan3A_553 = arith.addi %scan3A_551, %scan3A_552 : i32
      %scan3A_554 = arith.constant 1 : i32
      %scan3A_555:8 = scf.for %scan3A_631 = %scan3A_551 to %scan3A_553 step %scan3A_554 iter_args(%scan3A_632 = %select_n3A_535, %scan3A_633 = %select_n3A_536, %scan3A_634 = %select_n3A_537, %scan3A_635 = %select_n3A_538, %scan3A_636 = %select_n3A_539, %scan3A_637 = %select_n3A_540, %scan3A_638 = %select_n3A_541, %scan3A_639 = %select_n3A_542) -> (vector<16xf32>, vector<16xf32>, vector<16xf32>, vector<16xf32>, vector<16xf32>, vector<16xf32>, vector<16xf32>, vector<16xf32>)  : i32 {
        %mul3A_640 = arith.constant 2 : i32
        %mul3A_641 = arith.muli %mul3A_640, %scan3A_631 : i32
        %get3A = arith.index_cast %mul3A_641 : i32 to index
        %get3A_642 = arith.constant 0 : index
        %get3A_643 = tpu.vector_load %arg8[%get3A, %get3A_642] {strides = array<i32>} : memref<128x128xf32, #tpu.memory_space<vmem>>, vector<1x16xf32>,
        %get3A_644 = vector.shape_cast %get3A_643 : vector<1x16xf32> to vector<16xf32>
        %add3A_645 = arith.addf %scan3A_632, %get3A_644 : vector<16xf32>
        %get3A_646 = arith.index_cast %mul3A_641 : i32 to index
        %get3A_647 = arith.constant 16 : index
        %get3A_648 = tpu.vector_load %arg8[%get3A_646, %get3A_647] {strides = array<i32>} : memref<128x128xf32, #tpu.memory_space<vmem>>, vector<1x16xf32>,
        %get3A_649 = vector.shape_cast %get3A_648 : vector<1x16xf32> to vector<16xf32>
        %add3A_650 = arith.addf %scan3A_633, %get3A_649 : vector<16xf32>
        %get3A_651 = arith.index_cast %mul3A_641 : i32 to index
        %get3A_652 = arith.constant 32 : index
        %get3A_653 = tpu.vector_load %arg8[%get3A_651, %get3A_652] {strides = array<i32>} : memref<128x128xf32, #tpu.memory_space<vmem>>, vector<1x16xf32>,
        %get3A_654 = vector.shape_cast %get3A_653 : vector<1x16xf32> to vector<16xf32>
        %add3A_655 = arith.addf %scan3A_634, %get3A_654 : vector<16xf32>
        %get3A_656 = arith.index_cast %mul3A_641 : i32 to index
        %get3A_657 = arith.constant 48 : index
        %get3A_658 = tpu.vector_load %arg8[%get3A_656, %get3A_657] {strides = array<i32>} : memref<128x128xf32, #tpu.memory_space<vmem>>, vector<1x16xf32>,
        %get3A_659 = vector.shape_cast %get3A_658 : vector<1x16xf32> to vector<16xf32>
        %add3A_660 = arith.addf %scan3A_635, %get3A_659 : vector<16xf32>
        %get3A_661 = arith.index_cast %mul3A_641 : i32 to index
        %get3A_662 = arith.constant 64 : index
        %get3A_663 = tpu.vector_load %arg8[%get3A_661, %get3A_662] {strides = array<i32>} : memref<128x128xf32, #tpu.memory_space<vmem>>, vector<1x16xf32>,
        %get3A_664 = vector.shape_cast %get3A_663 : vector<1x16xf32> to vector<16xf32>
        %add3A_665 = arith.addf %scan3A_636, %get3A_664 : vector<16xf32>
        %get3A_666 = arith.index_cast %mul3A_641 : i32 to index
        %get3A_667 = arith.constant 80 : index
        %get3A_668 = tpu.vector_load %arg8[%get3A_666, %get3A_667] {strides = array<i32>} : memref<128x128xf32, #tpu.memory_space<vmem>>, vector<1x16xf32>,
        %get3A_669 = vector.shape_cast %get3A_668 : vector<1x16xf32> to vector<16xf32>
        %add3A_670 = arith.addf %scan3A_637, %get3A_669 : vector<16xf32>
        %get3A_671 = arith.index_cast %mul3A_641 : i32 to index
        %get3A_672 = arith.constant 96 : index
        %get3A_673 = tpu.vector_load %arg8[%get3A_671, %get3A_672] {strides = array<i32>} : memref<128x128xf32, #tpu.memory_space<vmem>>, vector<1x16xf32>,
        %get3A_674 = vector.shape_cast %get3A_673 : vector<1x16xf32> to vector<16xf32>
        %add3A_675 = arith.addf %scan3A_638, %get3A_674 : vector<16xf32>
        %get3A_676 = arith.index_cast %mul3A_641 : i32 to index
        %get3A_677 = arith.constant 112 : index
        %get3A_678 = tpu.vector_load %arg8[%get3A_676, %get3A_677] {strides = array<i32>} : memref<128x128xf32, #tpu.memory_space<vmem>>, vector<1x16xf32>,
        %get3A_679 = vector.shape_cast %get3A_678 : vector<1x16xf32> to vector<16xf32>
        %add3A_680 = arith.addf %scan3A_639, %get3A_679 : vector<16xf32>
        %add3A_681 = arith.constant 1 : i32
        %add3A_682 = arith.addi %mul3A_641, %add3A_681 : i32
        %get3A_683 = arith.index_cast %add3A_682 : i32 to index
        %get3A_684 = arith.constant 0 : index
        %get3A_685 = tpu.vector_load %arg8[%get3A_683, %get3A_684] {strides = array<i32>} : memref<128x128xf32, #tpu.memory_space<vmem>>, vector<1x16xf32>,
        %get3A_686 = vector.shape_cast %get3A_685 : vector<1x16xf32> to vector<16xf32>
        %add3A_687 = arith.addf %add3A_645, %get3A_686 : vector<16xf32>
        %add3A_688 = arith.constant 1 : i32
        %add3A_689 = arith.addi %mul3A_641, %add3A_688 : i32
        %get3A_690 = arith.index_cast %add3A_689 : i32 to index
        %get3A_691 = arith.constant 16 : index
        %get3A_692 = tpu.vector_load %arg8[%get3A_690, %get3A_691] {strides = array<i32>} : memref<128x128xf32, #tpu.memory_space<vmem>>, vector<1x16xf32>,
        %get3A_693 = vector.shape_cast %get3A_692 : vector<1x16xf32> to vector<16xf32>
        %add3A_694 = arith.addf %add3A_650, %get3A_693 : vector<16xf32>
        %add3A_695 = arith.constant 1 : i32
        %add3A_696 = arith.addi %mul3A_641, %add3A_695 : i32
        %get3A_697 = arith.index_cast %add3A_696 : i32 to index
        %get3A_698 = arith.constant 32 : index
        %get3A_699 = tpu.vector_load %arg8[%get3A_697, %get3A_698] {strides = array<i32>} : memref<128x128xf32, #tpu.memory_space<vmem>>, vector<1x16xf32>,
        %get3A_700 = vector.shape_cast %get3A_699 : vector<1x16xf32> to vector<16xf32>
        %add3A_701 = arith.addf %add3A_655, %get3A_700 : vector<16xf32>
        %add3A_702 = arith.constant 1 : i32
        %add3A_703 = arith.addi %mul3A_641, %add3A_702 : i32
        %get3A_704 = arith.index_cast %add3A_703 : i32 to index
        %get3A_705 = arith.constant 48 : index
        %get3A_706 = tpu.vector_load %arg8[%get3A_704, %get3A_705] {strides = array<i32>} : memref<128x128xf32, #tpu.memory_space<vmem>>, vector<1x16xf32>,
        %get3A_707 = vector.shape_cast %get3A_706 : vector<1x16xf32> to vector<16xf32>
        %add3A_708 = arith.addf %add3A_660, %get3A_707 : vector<16xf32>
        %add3A_709 = arith.constant 1 : i32
        %add3A_710 = arith.addi %mul3A_641, %add3A_709 : i32
        %get3A_711 = arith.index_cast %add3A_710 : i32 to index
        %get3A_712 = arith.constant 64 : index
        %get3A_713 = tpu.vector_load %arg8[%get3A_711, %get3A_712] {strides = array<i32>} : memref<128x128xf32, #tpu.memory_space<vmem>>, vector<1x16xf32>,
        %get3A_714 = vector.shape_cast %get3A_713 : vector<1x16xf32> to vector<16xf32>
        %add3A_715 = arith.addf %add3A_665, %get3A_714 : vector<16xf32>
        %add3A_716 = arith.constant 1 : i32
        %add3A_717 = arith.addi %mul3A_641, %add3A_716 : i32
        %get3A_718 = arith.index_cast %add3A_717 : i32 to index
        %get3A_719 = arith.constant 80 : index
        %get3A_720 = tpu.vector_load %arg8[%get3A_718, %get3A_719] {strides = array<i32>} : memref<128x128xf32, #tpu.memory_space<vmem>>, vector<1x16xf32>,
        %get3A_721 = vector.shape_cast %get3A_720 : vector<1x16xf32> to vector<16xf32>
        %add3A_722 = arith.addf %add3A_670, %get3A_721 : vector<16xf32>
        %add3A_723 = arith.constant 1 : i32
        %add3A_724 = arith.addi %mul3A_641, %add3A_723 : i32
        %get3A_725 = arith.index_cast %add3A_724 : i32 to index
        %get3A_726 = arith.constant 96 : index
        %get3A_727 = tpu.vector_load %arg8[%get3A_725, %get3A_726] {strides = array<i32>} : memref<128x128xf32, #tpu.memory_space<vmem>>, vector<1x16xf32>,
        %get3A_728 = vector.shape_cast %get3A_727 : vector<1x16xf32> to vector<16xf32>
        %add3A_729 = arith.addf %add3A_675, %get3A_728 : vector<16xf32>
        %add3A_730 = arith.constant 1 : i32
        %add3A_731 = arith.addi %mul3A_641, %add3A_730 : i32
        %get3A_732 = arith.index_cast %add3A_731 : i32 to index
        %get3A_733 = arith.constant 112 : index
        %get3A_734 = tpu.vector_load %arg8[%get3A_732, %get3A_733] {strides = array<i32>} : memref<128x128xf32, #tpu.memory_space<vmem>>, vector<1x16xf32>,
        %get3A_735 = vector.shape_cast %get3A_734 : vector<1x16xf32> to vector<16xf32>
        %add3A_736 = arith.addf %add3A_680, %get3A_735 : vector<16xf32>
        scf.yield %add3A_687, %add3A_694, %add3A_701, %add3A_708, %add3A_715, %add3A_722, %add3A_729, %add3A_736 : vector<16xf32>, vector<16xf32>, vector<16xf32>, vector<16xf32>, vector<16xf32>, vector<16xf32>, vector<16xf32>, vector<16xf32>
      }
      %scan3A_556 = arith.constant 64 : i32
      %add3A_557 = arith.constant 4 : i32
      %add3A_558 = arith.addi %add3A_544, %add3A_557 : i32
      %lt3A_559 = arith.constant 200 : i32
      %lt3A_560 = arith.cmpi slt, %add3A_558, %lt3A_559 : i32
      %convert_element_type3A_561 = arith.extui %lt3A_560 : i1 to i32
      %cond3A_562 = arith.constant 0 : i32
      %cond3A_563 = arith.cmpi ne, %convert_element_type3A_561, %cond3A_562 : i32
      scf.if %cond3A_563 {
        %add3A_631 = arith.constant 4 : i32
        %add3A_632 = arith.addi %add3A_544, %add3A_631 : i32
        %dma_start3A_633 = arith.constant 0 : i32
        %dma_start3A_634 = tpu.memref_slice %arg5[%add3A_632, %dma_start3A_633] : memref<200x128xi32, #tpu.memory_space<vmem>> -> memref<1x128xi32, #tpu.memory_space<vmem>>
        %dma_start3A_635 = tpu.memref_squeeze %dma_start3A_634 : memref<1x128xi32, #tpu.memory_space<vmem>> -> memref<128xi32, #tpu.memory_space<vmem>>
        %dma_start3A_636 = arith.constant 0 : i32
        %dma_start3A_637 = arith.constant 0 : i32
        %dma_start3A_638 = tpu.memref_slice %arg3[%dma_start3A_636, %dma_start3A_637] : memref<1000000x128xf32, #tpu.memory_space<hbm>> -> memref<1000000x128xf32, #tpu.memory_space<hbm>>
        tpu.enqueue_indirect_dma source(%dma_start3A_638 : memref<1000000x128xf32, #tpu.memory_space<hbm>>) target(%arg8 : memref<128x128xf32, #tpu.memory_space<vmem>>) offsets(%dma_start3A_635 : memref<128xi32, #tpu.memory_space<vmem>>) semaphore(%arg15 : memref<!tpu.dma_semaphore, #tpu.memory_space<semaphore_mem>>)
      } else {
      }
      %add3A_564 = arith.constant 1 : i32
      %add3A_565 = arith.addi %add3A_544, %add3A_564 : i32
      %rem3A_566 = arith.constant 32 : i32
      %rem3A_567 = arith.remsi %add3A_565, %rem3A_566 : i32
      %eq3A_568 = arith.constant 0 : i32
      %eq3A_569 = arith.cmpi eq, %rem3A_567, %eq3A_568 : i32
      %add3A_570 = arith.constant 1 : i32
      %add3A_571 = arith.addi %add3A_544, %add3A_570 : i32
      %div3A_572 = arith.constant 32 : i32
      %div3A_573 = arith.divsi %add3A_571, %div3A_572 : i32
      %sub3A_574 = arith.constant 1 : i32
      %sub3A_575 = arith.subi %div3A_573, %sub3A_574 : i32
      %convert_element_type3A_576 = arith.extui %eq3A_569 : i1 to i32
      %cond3A_577 = arith.constant 0 : i32
      %cond3A_578 = arith.cmpi ne, %convert_element_type3A_576, %cond3A_577 : i32
      scf.if %cond3A_578 {
        %swap3A_631 = arith.index_cast %sub3A_575 : i32 to index
        %swap3A_632 = arith.constant 0 : index
        %swap3A_633 = tpu.vector_load %arg10[%swap3A_631, %swap3A_632] {strides = array<i32>} : memref<7x128xf32, #tpu.memory_space<vmem>>, vector<1x16xf32>,
        %swap3A_634 = vector.shape_cast %swap3A_633 : vector<1x16xf32> to vector<16xf32>
        %swap3A_635 = vector.shape_cast %scan3A_555#0 : vector<16xf32> to vector<1x16xf32>
        tpu.vector_store %arg10[%swap3A_631, %swap3A_632], %swap3A_635 {strides = array<i32>} : memref<7x128xf32, #tpu.memory_space<vmem>>, vector<1x16xf32>,
        %swap3A_636 = arith.index_cast %sub3A_575 : i32 to index
        %swap3A_637 = arith.constant 16 : index
        %swap3A_638 = tpu.vector_load %arg10[%swap3A_636, %swap3A_637] {strides = array<i32>} : memref<7x128xf32, #tpu.memory_space<vmem>>, vector<1x16xf32>,
        %swap3A_639 = vector.shape_cast %swap3A_638 : vector<1x16xf32> to vector<16xf32>
        %swap3A_640 = vector.shape_cast %scan3A_555#1 : vector<16xf32> to vector<1x16xf32>
        tpu.vector_store %arg10[%swap3A_636, %swap3A_637], %swap3A_640 {strides = array<i32>} : memref<7x128xf32, #tpu.memory_space<vmem>>, vector<1x16xf32>,
        %swap3A_641 = arith.index_cast %sub3A_575 : i32 to index
        %swap3A_642 = arith.constant 32 : index
        %swap3A_643 = tpu.vector_load %arg10[%swap3A_641, %swap3A_642] {strides = array<i32>} : memref<7x128xf32, #tpu.memory_space<vmem>>, vector<1x16xf32>,
        %swap3A_644 = vector.shape_cast %swap3A_643 : vector<1x16xf32> to vector<16xf32>
        %swap3A_645 = vector.shape_cast %scan3A_555#2 : vector<16xf32> to vector<1x16xf32>
        tpu.vector_store %arg10[%swap3A_641, %swap3A_642], %swap3A_645 {strides = array<i32>} : memref<7x128xf32, #tpu.memory_space<vmem>>, vector<1x16xf32>,
        %swap3A_646 = arith.index_cast %sub3A_575 : i32 to index
        %swap3A_647 = arith.constant 48 : index
        %swap3A_648 = tpu.vector_load %arg10[%swap3A_646, %swap3A_647] {strides = array<i32>} : memref<7x128xf32, #tpu.memory_space<vmem>>, vector<1x16xf32>,
        %swap3A_649 = vector.shape_cast %swap3A_648 : vector<1x16xf32> to vector<16xf32>
        %swap3A_650 = vector.shape_cast %scan3A_555#3 : vector<16xf32> to vector<1x16xf32>
        tpu.vector_store %arg10[%swap3A_646, %swap3A_647], %swap3A_650 {strides = array<i32>} : memref<7x128xf32, #tpu.memory_space<vmem>>, vector<1x16xf32>,
        %swap3A_651 = arith.index_cast %sub3A_575 : i32 to index
        %swap3A_652 = arith.constant 64 : index
        %swap3A_653 = tpu.vector_load %arg10[%swap3A_651, %swap3A_652] {strides = array<i32>} : memref<7x128xf32, #tpu.memory_space<vmem>>, vector<1x16xf32>,
        %swap3A_654 = vector.shape_cast %swap3A_653 : vector<1x16xf32> to vector<16xf32>
        %swap3A_655 = vector.shape_cast %scan3A_555#4 : vector<16xf32> to vector<1x16xf32>
        tpu.vector_store %arg10[%swap3A_651, %swap3A_652], %swap3A_655 {strides = array<i32>} : memref<7x128xf32, #tpu.memory_space<vmem>>, vector<1x16xf32>,
        %swap3A_656 = arith.index_cast %sub3A_575 : i32 to index
        %swap3A_657 = arith.constant 80 : index
        %swap3A_658 = tpu.vector_load %arg10[%swap3A_656, %swap3A_657] {strides = array<i32>} : memref<7x128xf32, #tpu.memory_space<vmem>>, vector<1x16xf32>,
        %swap3A_659 = vector.shape_cast %swap3A_658 : vector<1x16xf32> to vector<16xf32>
        %swap3A_660 = vector.shape_cast %scan3A_555#5 : vector<16xf32> to vector<1x16xf32>
        tpu.vector_store %arg10[%swap3A_656, %swap3A_657], %swap3A_660 {strides = array<i32>} : memref<7x128xf32, #tpu.memory_space<vmem>>, vector<1x16xf32>,
        %swap3A_661 = arith.index_cast %sub3A_575 : i32 to index
        %swap3A_662 = arith.constant 96 : index
        %swap3A_663 = tpu.vector_load %arg10[%swap3A_661, %swap3A_662] {strides = array<i32>} : memref<7x128xf32, #tpu.memory_space<vmem>>, vector<1x16xf32>,
        %swap3A_664 = vector.shape_cast %swap3A_663 : vector<1x16xf32> to vector<16xf32>
        %swap3A_665 = vector.shape_cast %scan3A_555#6 : vector<16xf32> to vector<1x16xf32>
        tpu.vector_store %arg10[%swap3A_661, %swap3A_662], %swap3A_665 {strides = array<i32>} : memref<7x128xf32, #tpu.memory_space<vmem>>, vector<1x16xf32>,
        %swap3A_666 = arith.index_cast %sub3A_575 : i32 to index
        %swap3A_667 = arith.constant 112 : index
        %swap3A_668 = tpu.vector_load %arg10[%swap3A_666, %swap3A_667] {strides = array<i32>} : memref<7x128xf32, #tpu.memory_space<vmem>>, vector<1x16xf32>,
        %swap3A_669 = vector.shape_cast %swap3A_668 : vector<1x16xf32> to vector<16xf32>
        %swap3A_670 = vector.shape_cast %scan3A_555#7 : vector<16xf32> to vector<1x16xf32>
        tpu.vector_store %arg10[%swap3A_666, %swap3A_667], %swap3A_670 {strides = array<i32>} : memref<7x128xf32, #tpu.memory_space<vmem>>, vector<1x16xf32>,
        %mul3A_671 = arith.constant 6 : i32
        %mul3A_672 = arith.muli %select_n3A_28, %mul3A_671 : i32
        %add3A_673 = arith.addi %mul3A_32, %mul3A_672 : i32
        %add3A_674 = arith.addi %add3A_673, %sub3A_575 : i32
        %dma_start3A_675 = arith.constant 0 : i32
        %dma_start3A_676 = tpu.memref_slice %arg10[%sub3A_575, %dma_start3A_675] : memref<7x128xf32, #tpu.memory_space<vmem>> -> memref<1x128xf32, #tpu.memory_space<vmem>>
        %dma_start3A_677 = tpu.memref_squeeze %dma_start3A_676 : memref<1x128xf32, #tpu.memory_space<vmem>> -> memref<128xf32, #tpu.memory_space<vmem>>
        %dma_start3A_678 = arith.constant 0 : i32
        %dma_start3A_679 = tpu.memref_slice %arg4[%add3A_674, %dma_start3A_678] : memref<200x128xf32, #tpu.memory_space<hbm>> -> memref<1x128xf32, #tpu.memory_space<hbm>>
        %dma_start3A_680 = tpu.memref_squeeze %dma_start3A_679 : memref<1x128xf32, #tpu.memory_space<hbm>> -> memref<128xf32, #tpu.memory_space<hbm>>
        %dma_start3A_681 = arith.constant 0 : i32
        %dma_start3A_682 = tpu.memref_slice %arg4[%add3A_674, %dma_start3A_681] : memref<200x128xf32, #tpu.memory_space<hbm>> -> memref<1x128xf32, #tpu.memory_space<hbm>>
        %dma_start3A_683 = tpu.memref_squeeze %dma_start3A_682 : memref<1x128xf32, #tpu.memory_space<hbm>> -> memref<128xf32, #tpu.memory_space<hbm>>
        %dma_start3A_684 = arith.constant 0 : i32
        %dma_start3A_685 = tpu.memref_slice %arg10[%sub3A_575, %dma_start3A_684] : memref<7x128xf32, #tpu.memory_space<vmem>> -> memref<1x128xf32, #tpu.memory_space<vmem>>
        %dma_start3A_686 = tpu.memref_squeeze %dma_start3A_685 : memref<1x128xf32, #tpu.memory_space<vmem>> -> memref<128xf32, #tpu.memory_space<vmem>>
        tpu.enqueue_dma source(%dma_start3A_686 : memref<128xf32, #tpu.memory_space<vmem>>) target(%dma_start3A_683 : memref<128xf32, #tpu.memory_space<hbm>>) target_semaphore(%arg17 : memref<!tpu.dma_semaphore, #tpu.memory_space<semaphore_mem>>)
      } else {
      }
      %select_n3A_579 = arith.select %eq3A_569, %broadcast_in_dim3A_282, %scan3A_555#0 : vector<16xf32>
      %select_n3A_580 = arith.select %eq3A_569, %broadcast_in_dim3A_282, %scan3A_555#1 : vector<16xf32>
      %select_n3A_581 = arith.select %eq3A_569, %broadcast_in_dim3A_282, %scan3A_555#2 : vector<16xf32>
      %select_n3A_582 = arith.select %eq3A_569, %broadcast_in_dim3A_282, %scan3A_555#3 : vector<16xf32>
      %select_n3A_583 = arith.select %eq3A_569, %broadcast_in_dim3A_282, %scan3A_555#4 : vector<16xf32>
      %select_n3A_584 = arith.select %eq3A_569, %broadcast_in_dim3A_282, %scan3A_555#5 : vector<16xf32>
      %select_n3A_585 = arith.select %eq3A_569, %broadcast_in_dim3A_282, %scan3A_555#6 : vector<16xf32>
      %select_n3A_586 = arith.select %eq3A_569, %broadcast_in_dim3A_282, %scan3A_555#7 : vector<16xf32>
      %add3A_587 = arith.constant 3 : i32
      %add3A_588 = arith.addi %mul3A_456, %add3A_587 : i32
      %dma_wait3A_589 = arith.constant 0 : i32
      %dma_wait3A_590 = tpu.memref_slice %arg5[%add3A_588, %dma_wait3A_589] : memref<200x128xi32, #tpu.memory_space<vmem>> -> memref<1x128xi32, #tpu.memory_space<vmem>>
      %dma_wait3A_591 = tpu.memref_squeeze %dma_wait3A_590 : memref<1x128xi32, #tpu.memory_space<vmem>> -> memref<128xi32, #tpu.memory_space<vmem>>
      %dma_wait3A_592 = arith.constant 0 : i32
      %dma_wait3A_593 = arith.constant 0 : i32
      %dma_wait3A_594 = tpu.memref_slice %arg3[%dma_wait3A_592, %dma_wait3A_593] : memref<1000000x128xf32, #tpu.memory_space<hbm>> -> memref<1000000x128xf32, #tpu.memory_space<hbm>>
      tpu.wait_indirect_dma semaphore(%arg16 : memref<!tpu.dma_semaphore, #tpu.memory_space<semaphore_mem>>) src(%dma_wait3A_594 : memref<1000000x128xf32, #tpu.memory_space<hbm>>) dst(%arg9 : memref<128x128xf32, #tpu.memory_space<vmem>>)
      %scan3A_595 = arith.constant 0 : i32
      %scan3A_596 = arith.constant 64 : i32
      %scan3A_597 = arith.addi %scan3A_595, %scan3A_596 : i32
      %scan3A_598 = arith.constant 1 : i32
      %scan3A_599:8 = scf.for %scan3A_631 = %scan3A_595 to %scan3A_597 step %scan3A_598 iter_args(%scan3A_632 = %select_n3A_579, %scan3A_633 = %select_n3A_580, %scan3A_634 = %select_n3A_581, %scan3A_635 = %select_n3A_582, %scan3A_636 = %select_n3A_583, %scan3A_637 = %select_n3A_584, %scan3A_638 = %select_n3A_585, %scan3A_639 = %select_n3A_586) -> (vector<16xf32>, vector<16xf32>, vector<16xf32>, vector<16xf32>, vector<16xf32>, vector<16xf32>, vector<16xf32>, vector<16xf32>)  : i32 {
        %mul3A_640 = arith.constant 2 : i32
        %mul3A_641 = arith.muli %mul3A_640, %scan3A_631 : i32
        %get3A = arith.index_cast %mul3A_641 : i32 to index
        %get3A_642 = arith.constant 0 : index
        %get3A_643 = tpu.vector_load %arg9[%get3A, %get3A_642] {strides = array<i32>} : memref<128x128xf32, #tpu.memory_space<vmem>>, vector<1x16xf32>,
        %get3A_644 = vector.shape_cast %get3A_643 : vector<1x16xf32> to vector<16xf32>
        %add3A_645 = arith.addf %scan3A_632, %get3A_644 : vector<16xf32>
        %get3A_646 = arith.index_cast %mul3A_641 : i32 to index
        %get3A_647 = arith.constant 16 : index
        %get3A_648 = tpu.vector_load %arg9[%get3A_646, %get3A_647] {strides = array<i32>} : memref<128x128xf32, #tpu.memory_space<vmem>>, vector<1x16xf32>,
        %get3A_649 = vector.shape_cast %get3A_648 : vector<1x16xf32> to vector<16xf32>
        %add3A_650 = arith.addf %scan3A_633, %get3A_649 : vector<16xf32>
        %get3A_651 = arith.index_cast %mul3A_641 : i32 to index
        %get3A_652 = arith.constant 32 : index
        %get3A_653 = tpu.vector_load %arg9[%get3A_651, %get3A_652] {strides = array<i32>} : memref<128x128xf32, #tpu.memory_space<vmem>>, vector<1x16xf32>,
        %get3A_654 = vector.shape_cast %get3A_653 : vector<1x16xf32> to vector<16xf32>
        %add3A_655 = arith.addf %scan3A_634, %get3A_654 : vector<16xf32>
        %get3A_656 = arith.index_cast %mul3A_641 : i32 to index
        %get3A_657 = arith.constant 48 : index
        %get3A_658 = tpu.vector_load %arg9[%get3A_656, %get3A_657] {strides = array<i32>} : memref<128x128xf32, #tpu.memory_space<vmem>>, vector<1x16xf32>,
        %get3A_659 = vector.shape_cast %get3A_658 : vector<1x16xf32> to vector<16xf32>
        %add3A_660 = arith.addf %scan3A_635, %get3A_659 : vector<16xf32>
        %get3A_661 = arith.index_cast %mul3A_641 : i32 to index
        %get3A_662 = arith.constant 64 : index
        %get3A_663 = tpu.vector_load %arg9[%get3A_661, %get3A_662] {strides = array<i32>} : memref<128x128xf32, #tpu.memory_space<vmem>>, vector<1x16xf32>,
        %get3A_664 = vector.shape_cast %get3A_663 : vector<1x16xf32> to vector<16xf32>
        %add3A_665 = arith.addf %scan3A_636, %get3A_664 : vector<16xf32>
        %get3A_666 = arith.index_cast %mul3A_641 : i32 to index
        %get3A_667 = arith.constant 80 : index
        %get3A_668 = tpu.vector_load %arg9[%get3A_666, %get3A_667] {strides = array<i32>} : memref<128x128xf32, #tpu.memory_space<vmem>>, vector<1x16xf32>,
        %get3A_669 = vector.shape_cast %get3A_668 : vector<1x16xf32> to vector<16xf32>
        %add3A_670 = arith.addf %scan3A_637, %get3A_669 : vector<16xf32>
        %get3A_671 = arith.index_cast %mul3A_641 : i32 to index
        %get3A_672 = arith.constant 96 : index
        %get3A_673 = tpu.vector_load %arg9[%get3A_671, %get3A_672] {strides = array<i32>} : memref<128x128xf32, #tpu.memory_space<vmem>>, vector<1x16xf32>,
        %get3A_674 = vector.shape_cast %get3A_673 : vector<1x16xf32> to vector<16xf32>
        %add3A_675 = arith.addf %scan3A_638, %get3A_674 : vector<16xf32>
        %get3A_676 = arith.index_cast %mul3A_641 : i32 to index
        %get3A_677 = arith.constant 112 : index
        %get3A_678 = tpu.vector_load %arg9[%get3A_676, %get3A_677] {strides = array<i32>} : memref<128x128xf32, #tpu.memory_space<vmem>>, vector<1x16xf32>,
        %get3A_679 = vector.shape_cast %get3A_678 : vector<1x16xf32> to vector<16xf32>
        %add3A_680 = arith.addf %scan3A_639, %get3A_679 : vector<16xf32>
        %add3A_681 = arith.constant 1 : i32
        %add3A_682 = arith.addi %mul3A_641, %add3A_681 : i32
        %get3A_683 = arith.index_cast %add3A_682 : i32 to index
        %get3A_684 = arith.constant 0 : index
        %get3A_685 = tpu.vector_load %arg9[%get3A_683, %get3A_684] {strides = array<i32>} : memref<128x128xf32, #tpu.memory_space<vmem>>, vector<1x16xf32>,
        %get3A_686 = vector.shape_cast %get3A_685 : vector<1x16xf32> to vector<16xf32>
        %add3A_687 = arith.addf %add3A_645, %get3A_686 : vector<16xf32>
        %add3A_688 = arith.constant 1 : i32
        %add3A_689 = arith.addi %mul3A_641, %add3A_688 : i32
        %get3A_690 = arith.index_cast %add3A_689 : i32 to index
        %get3A_691 = arith.constant 16 : index
        %get3A_692 = tpu.vector_load %arg9[%get3A_690, %get3A_691] {strides = array<i32>} : memref<128x128xf32, #tpu.memory_space<vmem>>, vector<1x16xf32>,
        %get3A_693 = vector.shape_cast %get3A_692 : vector<1x16xf32> to vector<16xf32>
        %add3A_694 = arith.addf %add3A_650, %get3A_693 : vector<16xf32>
        %add3A_695 = arith.constant 1 : i32
        %add3A_696 = arith.addi %mul3A_641, %add3A_695 : i32
        %get3A_697 = arith.index_cast %add3A_696 : i32 to index
        %get3A_698 = arith.constant 32 : index
        %get3A_699 = tpu.vector_load %arg9[%get3A_697, %get3A_698] {strides = array<i32>} : memref<128x128xf32, #tpu.memory_space<vmem>>, vector<1x16xf32>,
        %get3A_700 = vector.shape_cast %get3A_699 : vector<1x16xf32> to vector<16xf32>
        %add3A_701 = arith.addf %add3A_655, %get3A_700 : vector<16xf32>
        %add3A_702 = arith.constant 1 : i32
        %add3A_703 = arith.addi %mul3A_641, %add3A_702 : i32
        %get3A_704 = arith.index_cast %add3A_703 : i32 to index
        %get3A_705 = arith.constant 48 : index
        %get3A_706 = tpu.vector_load %arg9[%get3A_704, %get3A_705] {strides = array<i32>} : memref<128x128xf32, #tpu.memory_space<vmem>>, vector<1x16xf32>,
        %get3A_707 = vector.shape_cast %get3A_706 : vector<1x16xf32> to vector<16xf32>
        %add3A_708 = arith.addf %add3A_660, %get3A_707 : vector<16xf32>
        %add3A_709 = arith.constant 1 : i32
        %add3A_710 = arith.addi %mul3A_641, %add3A_709 : i32
        %get3A_711 = arith.index_cast %add3A_710 : i32 to index
        %get3A_712 = arith.constant 64 : index
        %get3A_713 = tpu.vector_load %arg9[%get3A_711, %get3A_712] {strides = array<i32>} : memref<128x128xf32, #tpu.memory_space<vmem>>, vector<1x16xf32>,
        %get3A_714 = vector.shape_cast %get3A_713 : vector<1x16xf32> to vector<16xf32>
        %add3A_715 = arith.addf %add3A_665, %get3A_714 : vector<16xf32>
        %add3A_716 = arith.constant 1 : i32
        %add3A_717 = arith.addi %mul3A_641, %add3A_716 : i32
        %get3A_718 = arith.index_cast %add3A_717 : i32 to index
        %get3A_719 = arith.constant 80 : index
        %get3A_720 = tpu.vector_load %arg9[%get3A_718, %get3A_719] {strides = array<i32>} : memref<128x128xf32, #tpu.memory_space<vmem>>, vector<1x16xf32>,
        %get3A_721 = vector.shape_cast %get3A_720 : vector<1x16xf32> to vector<16xf32>
        %add3A_722 = arith.addf %add3A_670, %get3A_721 : vector<16xf32>
        %add3A_723 = arith.constant 1 : i32
        %add3A_724 = arith.addi %mul3A_641, %add3A_723 : i32
        %get3A_725 = arith.index_cast %add3A_724 : i32 to index
        %get3A_726 = arith.constant 96 : index
        %get3A_727 = tpu.vector_load %arg9[%get3A_725, %get3A_726] {strides = array<i32>} : memref<128x128xf32, #tpu.memory_space<vmem>>, vector<1x16xf32>,
        %get3A_728 = vector.shape_cast %get3A_727 : vector<1x16xf32> to vector<16xf32>
        %add3A_729 = arith.addf %add3A_675, %get3A_728 : vector<16xf32>
        %add3A_730 = arith.constant 1 : i32
        %add3A_731 = arith.addi %mul3A_641, %add3A_730 : i32
        %get3A_732 = arith.index_cast %add3A_731 : i32 to index
        %get3A_733 = arith.constant 112 : index
        %get3A_734 = tpu.vector_load %arg9[%get3A_732, %get3A_733] {strides = array<i32>} : memref<128x128xf32, #tpu.memory_space<vmem>>, vector<1x16xf32>,
        %get3A_735 = vector.shape_cast %get3A_734 : vector<1x16xf32> to vector<16xf32>
        %add3A_736 = arith.addf %add3A_680, %get3A_735 : vector<16xf32>
        scf.yield %add3A_687, %add3A_694, %add3A_701, %add3A_708, %add3A_715, %add3A_722, %add3A_729, %add3A_736 : vector<16xf32>, vector<16xf32>, vector<16xf32>, vector<16xf32>, vector<16xf32>, vector<16xf32>, vector<16xf32>, vector<16xf32>
      }
      %scan3A_600 = arith.constant 64 : i32
      %add3A_601 = arith.constant 4 : i32
      %add3A_602 = arith.addi %add3A_588, %add3A_601 : i32
      %lt3A_603 = arith.constant 200 : i32
      %lt3A_604 = arith.cmpi slt, %add3A_602, %lt3A_603 : i32
      %convert_element_type3A_605 = arith.extui %lt3A_604 : i1 to i32
      %cond3A_606 = arith.constant 0 : i32
      %cond3A_607 = arith.cmpi ne, %convert_element_type3A_605, %cond3A_606 : i32
      scf.if %cond3A_607 {
        %add3A_631 = arith.constant 4 : i32
        %add3A_632 = arith.addi %add3A_588, %add3A_631 : i32
        %dma_start3A_633 = arith.constant 0 : i32
        %dma_start3A_634 = tpu.memref_slice %arg5[%add3A_632, %dma_start3A_633] : memref<200x128xi32, #tpu.memory_space<vmem>> -> memref<1x128xi32, #tpu.memory_space<vmem>>
        %dma_start3A_635 = tpu.memref_squeeze %dma_start3A_634 : memref<1x128xi32, #tpu.memory_space<vmem>> -> memref<128xi32, #tpu.memory_space<vmem>>
        %dma_start3A_636 = arith.constant 0 : i32
        %dma_start3A_637 = arith.constant 0 : i32
        %dma_start3A_638 = tpu.memref_slice %arg3[%dma_start3A_636, %dma_start3A_637] : memref<1000000x128xf32, #tpu.memory_space<hbm>> -> memref<1000000x128xf32, #tpu.memory_space<hbm>>
        tpu.enqueue_indirect_dma source(%dma_start3A_638 : memref<1000000x128xf32, #tpu.memory_space<hbm>>) target(%arg9 : memref<128x128xf32, #tpu.memory_space<vmem>>) offsets(%dma_start3A_635 : memref<128xi32, #tpu.memory_space<vmem>>) semaphore(%arg16 : memref<!tpu.dma_semaphore, #tpu.memory_space<semaphore_mem>>)
      } else {
      }
      %add3A_608 = arith.constant 1 : i32
      %add3A_609 = arith.addi %add3A_588, %add3A_608 : i32
      %rem3A_610 = arith.constant 32 : i32
      %rem3A_611 = arith.remsi %add3A_609, %rem3A_610 : i32
      %eq3A_612 = arith.constant 0 : i32
      %eq3A_613 = arith.cmpi eq, %rem3A_611, %eq3A_612 : i32
      %add3A_614 = arith.constant 1 : i32
      %add3A_615 = arith.addi %add3A_588, %add3A_614 : i32
      %div3A_616 = arith.constant 32 : i32
      %div3A_617 = arith.divsi %add3A_615, %div3A_616 : i32
      %sub3A_618 = arith.constant 1 : i32
      %sub3A_619 = arith.subi %div3A_617, %sub3A_618 : i32
      %convert_element_type3A_620 = arith.extui %eq3A_613 : i1 to i32
      %cond3A_621 = arith.constant 0 : i32
      %cond3A_622 = arith.cmpi ne, %convert_element_type3A_620, %cond3A_621 : i32
      scf.if %cond3A_622 {
        %swap3A_631 = arith.index_cast %sub3A_619 : i32 to index
        %swap3A_632 = arith.constant 0 : index
        %swap3A_633 = tpu.vector_load %arg10[%swap3A_631, %swap3A_632] {strides = array<i32>} : memref<7x128xf32, #tpu.memory_space<vmem>>, vector<1x16xf32>,
        %swap3A_634 = vector.shape_cast %swap3A_633 : vector<1x16xf32> to vector<16xf32>
        %swap3A_635 = vector.shape_cast %scan3A_599#0 : vector<16xf32> to vector<1x16xf32>
        tpu.vector_store %arg10[%swap3A_631, %swap3A_632], %swap3A_635 {strides = array<i32>} : memref<7x128xf32, #tpu.memory_space<vmem>>, vector<1x16xf32>,
        %swap3A_636 = arith.index_cast %sub3A_619 : i32 to index
        %swap3A_637 = arith.constant 16 : index
        %swap3A_638 = tpu.vector_load %arg10[%swap3A_636, %swap3A_637] {strides = array<i32>} : memref<7x128xf32, #tpu.memory_space<vmem>>, vector<1x16xf32>,
        %swap3A_639 = vector.shape_cast %swap3A_638 : vector<1x16xf32> to vector<16xf32>
        %swap3A_640 = vector.shape_cast %scan3A_599#1 : vector<16xf32> to vector<1x16xf32>
        tpu.vector_store %arg10[%swap3A_636, %swap3A_637], %swap3A_640 {strides = array<i32>} : memref<7x128xf32, #tpu.memory_space<vmem>>, vector<1x16xf32>,
        %swap3A_641 = arith.index_cast %sub3A_619 : i32 to index
        %swap3A_642 = arith.constant 32 : index
        %swap3A_643 = tpu.vector_load %arg10[%swap3A_641, %swap3A_642] {strides = array<i32>} : memref<7x128xf32, #tpu.memory_space<vmem>>, vector<1x16xf32>,
        %swap3A_644 = vector.shape_cast %swap3A_643 : vector<1x16xf32> to vector<16xf32>
        %swap3A_645 = vector.shape_cast %scan3A_599#2 : vector<16xf32> to vector<1x16xf32>
        tpu.vector_store %arg10[%swap3A_641, %swap3A_642], %swap3A_645 {strides = array<i32>} : memref<7x128xf32, #tpu.memory_space<vmem>>, vector<1x16xf32>,
        %swap3A_646 = arith.index_cast %sub3A_619 : i32 to index
        %swap3A_647 = arith.constant 48 : index
        %swap3A_648 = tpu.vector_load %arg10[%swap3A_646, %swap3A_647] {strides = array<i32>} : memref<7x128xf32, #tpu.memory_space<vmem>>, vector<1x16xf32>,
        %swap3A_649 = vector.shape_cast %swap3A_648 : vector<1x16xf32> to vector<16xf32>
        %swap3A_650 = vector.shape_cast %scan3A_599#3 : vector<16xf32> to vector<1x16xf32>
        tpu.vector_store %arg10[%swap3A_646, %swap3A_647], %swap3A_650 {strides = array<i32>} : memref<7x128xf32, #tpu.memory_space<vmem>>, vector<1x16xf32>,
        %swap3A_651 = arith.index_cast %sub3A_619 : i32 to index
        %swap3A_652 = arith.constant 64 : index
        %swap3A_653 = tpu.vector_load %arg10[%swap3A_651, %swap3A_652] {strides = array<i32>} : memref<7x128xf32, #tpu.memory_space<vmem>>, vector<1x16xf32>,
        %swap3A_654 = vector.shape_cast %swap3A_653 : vector<1x16xf32> to vector<16xf32>
        %swap3A_655 = vector.shape_cast %scan3A_599#4 : vector<16xf32> to vector<1x16xf32>
        tpu.vector_store %arg10[%swap3A_651, %swap3A_652], %swap3A_655 {strides = array<i32>} : memref<7x128xf32, #tpu.memory_space<vmem>>, vector<1x16xf32>,
        %swap3A_656 = arith.index_cast %sub3A_619 : i32 to index
        %swap3A_657 = arith.constant 80 : index
        %swap3A_658 = tpu.vector_load %arg10[%swap3A_656, %swap3A_657] {strides = array<i32>} : memref<7x128xf32, #tpu.memory_space<vmem>>, vector<1x16xf32>,
        %swap3A_659 = vector.shape_cast %swap3A_658 : vector<1x16xf32> to vector<16xf32>
        %swap3A_660 = vector.shape_cast %scan3A_599#5 : vector<16xf32> to vector<1x16xf32>
        tpu.vector_store %arg10[%swap3A_656, %swap3A_657], %swap3A_660 {strides = array<i32>} : memref<7x128xf32, #tpu.memory_space<vmem>>, vector<1x16xf32>,
        %swap3A_661 = arith.index_cast %sub3A_619 : i32 to index
        %swap3A_662 = arith.constant 96 : index
        %swap3A_663 = tpu.vector_load %arg10[%swap3A_661, %swap3A_662] {strides = array<i32>} : memref<7x128xf32, #tpu.memory_space<vmem>>, vector<1x16xf32>,
        %swap3A_664 = vector.shape_cast %swap3A_663 : vector<1x16xf32> to vector<16xf32>
        %swap3A_665 = vector.shape_cast %scan3A_599#6 : vector<16xf32> to vector<1x16xf32>
        tpu.vector_store %arg10[%swap3A_661, %swap3A_662], %swap3A_665 {strides = array<i32>} : memref<7x128xf32, #tpu.memory_space<vmem>>, vector<1x16xf32>,
        %swap3A_666 = arith.index_cast %sub3A_619 : i32 to index
        %swap3A_667 = arith.constant 112 : index
        %swap3A_668 = tpu.vector_load %arg10[%swap3A_666, %swap3A_667] {strides = array<i32>} : memref<7x128xf32, #tpu.memory_space<vmem>>, vector<1x16xf32>,
        %swap3A_669 = vector.shape_cast %swap3A_668 : vector<1x16xf32> to vector<16xf32>
        %swap3A_670 = vector.shape_cast %scan3A_599#7 : vector<16xf32> to vector<1x16xf32>
        tpu.vector_store %arg10[%swap3A_666, %swap3A_667], %swap3A_670 {strides = array<i32>} : memref<7x128xf32, #tpu.memory_space<vmem>>, vector<1x16xf32>,
        %mul3A_671 = arith.constant 6 : i32
        %mul3A_672 = arith.muli %select_n3A_28, %mul3A_671 : i32
        %add3A_673 = arith.addi %mul3A_32, %mul3A_672 : i32
        %add3A_674 = arith.addi %add3A_673, %sub3A_619 : i32
        %dma_start3A_675 = arith.constant 0 : i32
        %dma_start3A_676 = tpu.memref_slice %arg10[%sub3A_619, %dma_start3A_675] : memref<7x128xf32, #tpu.memory_space<vmem>> -> memref<1x128xf32, #tpu.memory_space<vmem>>
        %dma_start3A_677 = tpu.memref_squeeze %dma_start3A_676 : memref<1x128xf32, #tpu.memory_space<vmem>> -> memref<128xf32, #tpu.memory_space<vmem>>
        %dma_start3A_678 = arith.constant 0 : i32
        %dma_start3A_679 = tpu.memref_slice %arg4[%add3A_674, %dma_start3A_678] : memref<200x128xf32, #tpu.memory_space<hbm>> -> memref<1x128xf32, #tpu.memory_space<hbm>>
        %dma_start3A_680 = tpu.memref_squeeze %dma_start3A_679 : memref<1x128xf32, #tpu.memory_space<hbm>> -> memref<128xf32, #tpu.memory_space<hbm>>
        %dma_start3A_681 = arith.constant 0 : i32
        %dma_start3A_682 = tpu.memref_slice %arg4[%add3A_674, %dma_start3A_681] : memref<200x128xf32, #tpu.memory_space<hbm>> -> memref<1x128xf32, #tpu.memory_space<hbm>>
        %dma_start3A_683 = tpu.memref_squeeze %dma_start3A_682 : memref<1x128xf32, #tpu.memory_space<hbm>> -> memref<128xf32, #tpu.memory_space<hbm>>
        %dma_start3A_684 = arith.constant 0 : i32
        %dma_start3A_685 = tpu.memref_slice %arg10[%sub3A_619, %dma_start3A_684] : memref<7x128xf32, #tpu.memory_space<vmem>> -> memref<1x128xf32, #tpu.memory_space<vmem>>
        %dma_start3A_686 = tpu.memref_squeeze %dma_start3A_685 : memref<1x128xf32, #tpu.memory_space<vmem>> -> memref<128xf32, #tpu.memory_space<vmem>>
        tpu.enqueue_dma source(%dma_start3A_686 : memref<128xf32, #tpu.memory_space<vmem>>) target(%dma_start3A_683 : memref<128xf32, #tpu.memory_space<hbm>>) target_semaphore(%arg17 : memref<!tpu.dma_semaphore, #tpu.memory_space<semaphore_mem>>)
      } else {
      }
      %select_n3A_623 = arith.select %eq3A_613, %broadcast_in_dim3A_282, %scan3A_599#0 : vector<16xf32>
      %select_n3A_624 = arith.select %eq3A_613, %broadcast_in_dim3A_282, %scan3A_599#1 : vector<16xf32>
      %select_n3A_625 = arith.select %eq3A_613, %broadcast_in_dim3A_282, %scan3A_599#2 : vector<16xf32>
      %select_n3A_626 = arith.select %eq3A_613, %broadcast_in_dim3A_282, %scan3A_599#3 : vector<16xf32>
      %select_n3A_627 = arith.select %eq3A_613, %broadcast_in_dim3A_282, %scan3A_599#4 : vector<16xf32>
      %select_n3A_628 = arith.select %eq3A_613, %broadcast_in_dim3A_282, %scan3A_599#5 : vector<16xf32>
      %select_n3A_629 = arith.select %eq3A_613, %broadcast_in_dim3A_282, %scan3A_599#6 : vector<16xf32>
      %select_n3A_630 = arith.select %eq3A_613, %broadcast_in_dim3A_282, %scan3A_599#7 : vector<16xf32>
      scf.yield %select_n3A_623, %select_n3A_624, %select_n3A_625, %select_n3A_626, %select_n3A_627, %select_n3A_628, %select_n3A_629, %select_n3A_630 : vector<16xf32>, vector<16xf32>, vector<16xf32>, vector<16xf32>, vector<16xf32>, vector<16xf32>, vector<16xf32>, vector<16xf32>
    }
    %scan3A_287 = arith.constant 50 : i32
    %swap3A = arith.constant 6 : i32
    %swap3A_288 = arith.index_cast %swap3A : i32 to index
    %swap3A_289 = arith.constant 0 : index
    %swap3A_290 = tpu.vector_load %arg10[%swap3A_288, %swap3A_289] {strides = array<i32>} : memref<7x128xf32, #tpu.memory_space<vmem>>, vector<1x16xf32>,
    %swap3A_291 = vector.shape_cast %swap3A_290 : vector<1x16xf32> to vector<16xf32>
    %swap3A_292 = vector.shape_cast %scan3A_286#0 : vector<16xf32> to vector<1x16xf32>
    tpu.vector_store %arg10[%swap3A_288, %swap3A_289], %swap3A_292 {strides = array<i32>} : memref<7x128xf32, #tpu.memory_space<vmem>>, vector<1x16xf32>,
    %swap3A_293 = arith.constant 6 : i32
    %swap3A_294 = arith.index_cast %swap3A_293 : i32 to index
    %swap3A_295 = arith.constant 16 : index
    %swap3A_296 = tpu.vector_load %arg10[%swap3A_294, %swap3A_295] {strides = array<i32>} : memref<7x128xf32, #tpu.memory_space<vmem>>, vector<1x16xf32>,
    %swap3A_297 = vector.shape_cast %swap3A_296 : vector<1x16xf32> to vector<16xf32>
    %swap3A_298 = vector.shape_cast %scan3A_286#1 : vector<16xf32> to vector<1x16xf32>
    tpu.vector_store %arg10[%swap3A_294, %swap3A_295], %swap3A_298 {strides = array<i32>} : memref<7x128xf32, #tpu.memory_space<vmem>>, vector<1x16xf32>,
    %swap3A_299 = arith.constant 6 : i32
    %swap3A_300 = arith.index_cast %swap3A_299 : i32 to index
    %swap3A_301 = arith.constant 32 : index
    %swap3A_302 = tpu.vector_load %arg10[%swap3A_300, %swap3A_301] {strides = array<i32>} : memref<7x128xf32, #tpu.memory_space<vmem>>, vector<1x16xf32>,
    %swap3A_303 = vector.shape_cast %swap3A_302 : vector<1x16xf32> to vector<16xf32>
    %swap3A_304 = vector.shape_cast %scan3A_286#2 : vector<16xf32> to vector<1x16xf32>
    tpu.vector_store %arg10[%swap3A_300, %swap3A_301], %swap3A_304 {strides = array<i32>} : memref<7x128xf32, #tpu.memory_space<vmem>>, vector<1x16xf32>,
    %swap3A_305 = arith.constant 6 : i32
    %swap3A_306 = arith.index_cast %swap3A_305 : i32 to index
    %swap3A_307 = arith.constant 48 : index
    %swap3A_308 = tpu.vector_load %arg10[%swap3A_306, %swap3A_307] {strides = array<i32>} : memref<7x128xf32, #tpu.memory_space<vmem>>, vector<1x16xf32>,
    %swap3A_309 = vector.shape_cast %swap3A_308 : vector<1x16xf32> to vector<16xf32>
    %swap3A_310 = vector.shape_cast %scan3A_286#3 : vector<16xf32> to vector<1x16xf32>
    tpu.vector_store %arg10[%swap3A_306, %swap3A_307], %swap3A_310 {strides = array<i32>} : memref<7x128xf32, #tpu.memory_space<vmem>>, vector<1x16xf32>,
    %swap3A_311 = arith.constant 6 : i32
    %swap3A_312 = arith.index_cast %swap3A_311 : i32 to index
    %swap3A_313 = arith.constant 64 : index
    %swap3A_314 = tpu.vector_load %arg10[%swap3A_312, %swap3A_313] {strides = array<i32>} : memref<7x128xf32, #tpu.memory_space<vmem>>, vector<1x16xf32>,
    %swap3A_315 = vector.shape_cast %swap3A_314 : vector<1x16xf32> to vector<16xf32>
    %swap3A_316 = vector.shape_cast %scan3A_286#4 : vector<16xf32> to vector<1x16xf32>
    tpu.vector_store %arg10[%swap3A_312, %swap3A_313], %swap3A_316 {strides = array<i32>} : memref<7x128xf32, #tpu.memory_space<vmem>>, vector<1x16xf32>,
    %swap3A_317 = arith.constant 6 : i32
    %swap3A_318 = arith.index_cast %swap3A_317 : i32 to index
    %swap3A_319 = arith.constant 80 : index
    %swap3A_320 = tpu.vector_load %arg10[%swap3A_318, %swap3A_319] {strides = array<i32>} : memref<7x128xf32, #tpu.memory_space<vmem>>, vector<1x16xf32>,
    %swap3A_321 = vector.shape_cast %swap3A_320 : vector<1x16xf32> to vector<16xf32>
    %swap3A_322 = vector.shape_cast %scan3A_286#5 : vector<16xf32> to vector<1x16xf32>
    tpu.vector_store %arg10[%swap3A_318, %swap3A_319], %swap3A_322 {strides = array<i32>} : memref<7x128xf32, #tpu.memory_space<vmem>>, vector<1x16xf32>,
    %swap3A_323 = arith.constant 6 : i32
    %swap3A_324 = arith.index_cast %swap3A_323 : i32 to index
    %swap3A_325 = arith.constant 96 : index
    %swap3A_326 = tpu.vector_load %arg10[%swap3A_324, %swap3A_325] {strides = array<i32>} : memref<7x128xf32, #tpu.memory_space<vmem>>, vector<1x16xf32>,
    %swap3A_327 = vector.shape_cast %swap3A_326 : vector<1x16xf32> to vector<16xf32>
    %swap3A_328 = vector.shape_cast %scan3A_286#6 : vector<16xf32> to vector<1x16xf32>
    tpu.vector_store %arg10[%swap3A_324, %swap3A_325], %swap3A_328 {strides = array<i32>} : memref<7x128xf32, #tpu.memory_space<vmem>>, vector<1x16xf32>,
    %swap3A_329 = arith.constant 6 : i32
    %swap3A_330 = arith.index_cast %swap3A_329 : i32 to index
    %swap3A_331 = arith.constant 112 : index
    %swap3A_332 = tpu.vector_load %arg10[%swap3A_330, %swap3A_331] {strides = array<i32>} : memref<7x128xf32, #tpu.memory_space<vmem>>, vector<1x16xf32>,
    %swap3A_333 = vector.shape_cast %swap3A_332 : vector<1x16xf32> to vector<16xf32>
    %swap3A_334 = vector.shape_cast %scan3A_286#7 : vector<16xf32> to vector<1x16xf32>
    tpu.vector_store %arg10[%swap3A_330, %swap3A_331], %swap3A_334 {strides = array<i32>} : memref<7x128xf32, #tpu.memory_space<vmem>>, vector<1x16xf32>,
    %run_scoped3A = arith.constant 6 : i32
    "tpu.region"() ({
      %run_scoped3A_446 = tpu.sem_alloc : memref<!tpu.dma_semaphore, #tpu.memory_space<semaphore_mem>>
      %dma_start3A_447 = arith.constant 0 : i32
      %dma_start3A_448 = tpu.memref_slice %arg10[%run_scoped3A, %dma_start3A_447] : memref<7x128xf32, #tpu.memory_space<vmem>> -> memref<1x128xf32, #tpu.memory_space<vmem>>
      %dma_start3A_449 = tpu.memref_squeeze %dma_start3A_448 : memref<1x128xf32, #tpu.memory_space<vmem>> -> memref<128xf32, #tpu.memory_space<vmem>>
      %dma_start3A_450 = arith.constant 0 : i32
      %dma_start3A_451 = tpu.memref_slice %arg12[%select_n3A, %select_n3A_28, %dma_start3A_450] : memref<4x4x128xf32, #tpu.memory_space<vmem_shared>> -> memref<1x1x128xf32, #tpu.memory_space<vmem_shared>>
      %dma_start3A_452 = tpu.memref_squeeze %dma_start3A_451 : memref<1x1x128xf32, #tpu.memory_space<vmem_shared>> -> memref<128xf32, #tpu.memory_space<vmem_shared>>
      %dma_start3A_453 = arith.constant 0 : i32
      %dma_start3A_454 = tpu.memref_slice %arg12[%select_n3A, %select_n3A_28, %dma_start3A_453] : memref<4x4x128xf32, #tpu.memory_space<vmem_shared>> -> memref<1x1x128xf32, #tpu.memory_space<vmem_shared>>
      %dma_start3A_455 = tpu.memref_squeeze %dma_start3A_454 : memref<1x1x128xf32, #tpu.memory_space<vmem_shared>> -> memref<128xf32, #tpu.memory_space<vmem_shared>>
      %dma_start3A_456 = arith.constant 0 : i32
      %dma_start3A_457 = tpu.memref_slice %arg10[%run_scoped3A, %dma_start3A_456] : memref<7x128xf32, #tpu.memory_space<vmem>> -> memref<1x128xf32, #tpu.memory_space<vmem>>
      %dma_start3A_458 = tpu.memref_squeeze %dma_start3A_457 : memref<1x128xf32, #tpu.memory_space<vmem>> -> memref<128xf32, #tpu.memory_space<vmem>>
      tpu.enqueue_dma source(%dma_start3A_458 : memref<128xf32, #tpu.memory_space<vmem>>) target(%dma_start3A_455 : memref<128xf32, #tpu.memory_space<vmem_shared>>) target_semaphore(%run_scoped3A_446 : memref<!tpu.dma_semaphore, #tpu.memory_space<semaphore_mem>>)
      %dma_wait3A_459 = arith.constant 0 : i32
      %dma_wait3A_460 = tpu.memref_slice %arg10[%run_scoped3A, %dma_wait3A_459] : memref<7x128xf32, #tpu.memory_space<vmem>> -> memref<1x128xf32, #tpu.memory_space<vmem>>
      %dma_wait3A_461 = tpu.memref_squeeze %dma_wait3A_460 : memref<1x128xf32, #tpu.memory_space<vmem>> -> memref<128xf32, #tpu.memory_space<vmem>>
      %dma_wait3A_462 = arith.constant 0 : i32
      %dma_wait3A_463 = tpu.memref_slice %arg12[%select_n3A, %select_n3A_28, %dma_wait3A_462] : memref<4x4x128xf32, #tpu.memory_space<vmem_shared>> -> memref<1x1x128xf32, #tpu.memory_space<vmem_shared>>
      %dma_wait3A_464 = tpu.memref_squeeze %dma_wait3A_463 : memref<1x1x128xf32, #tpu.memory_space<vmem_shared>> -> memref<128xf32, #tpu.memory_space<vmem_shared>>
      %dma_wait3A_465 = arith.constant 0 : i32
      %dma_wait3A_466 = tpu.memref_slice %arg12[%select_n3A, %select_n3A_28, %dma_wait3A_465] : memref<4x4x128xf32, #tpu.memory_space<vmem_shared>> -> memref<1x1x128xf32, #tpu.memory_space<vmem_shared>>
      %dma_wait3A_467 = tpu.memref_squeeze %dma_wait3A_466 : memref<1x1x128xf32, #tpu.memory_space<vmem_shared>> -> memref<128xf32, #tpu.memory_space<vmem_shared>>
      %dma_wait3A_468 = arith.constant 0 : i32
      %dma_wait3A_469 = tpu.memref_slice %arg10[%run_scoped3A, %dma_wait3A_468] : memref<7x128xf32, #tpu.memory_space<vmem>> -> memref<1x128xf32, #tpu.memory_space<vmem>>
      %dma_wait3A_470 = tpu.memref_squeeze %dma_wait3A_469 : memref<1x128xf32, #tpu.memory_space<vmem>> -> memref<128xf32, #tpu.memory_space<vmem>>
      tpu.wait_dma2 semaphore(%run_scoped3A_446 : memref<!tpu.dma_semaphore, #tpu.memory_space<semaphore_mem>>) src(%dma_wait3A_470 : memref<128xf32, #tpu.memory_space<vmem>>) dst(%dma_wait3A_467 : memref<128xf32, #tpu.memory_space<vmem_shared>>)
      tpu.yield
    }) : () -> ()
    %mul3A_335 = arith.constant 6 : i32
    %mul3A_336 = arith.muli %select_n3A_28, %mul3A_335 : i32
    %add3A_337 = arith.addi %mul3A_32, %mul3A_336 : i32
    %add3A_338 = arith.constant 0 : i32
    %add3A_339 = arith.addi %add3A_337, %add3A_338 : i32
    %dma_wait3A_340 = arith.constant 0 : i32
    %dma_wait3A_341 = arith.constant 0 : i32
    %dma_wait3A_342 = tpu.memref_slice %arg10[%dma_wait3A_340, %dma_wait3A_341] : memref<7x128xf32, #tpu.memory_space<vmem>> -> memref<1x128xf32, #tpu.memory_space<vmem>>
    %dma_wait3A_343 = tpu.memref_squeeze %dma_wait3A_342 : memref<1x128xf32, #tpu.memory_space<vmem>> -> memref<128xf32, #tpu.memory_space<vmem>>
    %dma_wait3A_344 = arith.constant 0 : i32
    %dma_wait3A_345 = tpu.memref_slice %arg4[%add3A_339, %dma_wait3A_344] : memref<200x128xf32, #tpu.memory_space<hbm>> -> memref<1x128xf32, #tpu.memory_space<hbm>>
    %dma_wait3A_346 = tpu.memref_squeeze %dma_wait3A_345 : memref<1x128xf32, #tpu.memory_space<hbm>> -> memref<128xf32, #tpu.memory_space<hbm>>
    %dma_wait3A_347 = arith.constant 0 : i32
    %dma_wait3A_348 = tpu.memref_slice %arg4[%add3A_339, %dma_wait3A_347] : memref<200x128xf32, #tpu.memory_space<hbm>> -> memref<1x128xf32, #tpu.memory_space<hbm>>
    %dma_wait3A_349 = tpu.memref_squeeze %dma_wait3A_348 : memref<1x128xf32, #tpu.memory_space<hbm>> -> memref<128xf32, #tpu.memory_space<hbm>>
    %dma_wait3A_350 = arith.constant 0 : i32
    %dma_wait3A_351 = tpu.memref_slice %arg10[%dma_wait3A_340, %dma_wait3A_350] : memref<7x128xf32, #tpu.memory_space<vmem>> -> memref<1x128xf32, #tpu.memory_space<vmem>>
    %dma_wait3A_352 = tpu.memref_squeeze %dma_wait3A_351 : memref<1x128xf32, #tpu.memory_space<vmem>> -> memref<128xf32, #tpu.memory_space<vmem>>
    tpu.wait_dma2 semaphore(%arg17 : memref<!tpu.dma_semaphore, #tpu.memory_space<semaphore_mem>>) src(%dma_wait3A_352 : memref<128xf32, #tpu.memory_space<vmem>>) dst(%dma_wait3A_349 : memref<128xf32, #tpu.memory_space<hbm>>)
    %mul3A_353 = arith.constant 6 : i32
    %mul3A_354 = arith.muli %select_n3A_28, %mul3A_353 : i32
    %add3A_355 = arith.addi %mul3A_32, %mul3A_354 : i32
    %add3A_356 = arith.constant 1 : i32
    %add3A_357 = arith.addi %add3A_355, %add3A_356 : i32
    %dma_wait3A_358 = arith.constant 1 : i32
    %dma_wait3A_359 = arith.constant 0 : i32
    %dma_wait3A_360 = tpu.memref_slice %arg10[%dma_wait3A_358, %dma_wait3A_359] : memref<7x128xf32, #tpu.memory_space<vmem>> -> memref<1x128xf32, #tpu.memory_space<vmem>>
    %dma_wait3A_361 = tpu.memref_squeeze %dma_wait3A_360 : memref<1x128xf32, #tpu.memory_space<vmem>> -> memref<128xf32, #tpu.memory_space<vmem>>
    %dma_wait3A_362 = arith.constant 0 : i32
    %dma_wait3A_363 = tpu.memref_slice %arg4[%add3A_357, %dma_wait3A_362] : memref<200x128xf32, #tpu.memory_space<hbm>> -> memref<1x128xf32, #tpu.memory_space<hbm>>
    %dma_wait3A_364 = tpu.memref_squeeze %dma_wait3A_363 : memref<1x128xf32, #tpu.memory_space<hbm>> -> memref<128xf32, #tpu.memory_space<hbm>>
    %dma_wait3A_365 = arith.constant 0 : i32
    %dma_wait3A_366 = tpu.memref_slice %arg4[%add3A_357, %dma_wait3A_365] : memref<200x128xf32, #tpu.memory_space<hbm>> -> memref<1x128xf32, #tpu.memory_space<hbm>>
    %dma_wait3A_367 = tpu.memref_squeeze %dma_wait3A_366 : memref<1x128xf32, #tpu.memory_space<hbm>> -> memref<128xf32, #tpu.memory_space<hbm>>
    %dma_wait3A_368 = arith.constant 0 : i32
    %dma_wait3A_369 = tpu.memref_slice %arg10[%dma_wait3A_358, %dma_wait3A_368] : memref<7x128xf32, #tpu.memory_space<vmem>> -> memref<1x128xf32, #tpu.memory_space<vmem>>
    %dma_wait3A_370 = tpu.memref_squeeze %dma_wait3A_369 : memref<1x128xf32, #tpu.memory_space<vmem>> -> memref<128xf32, #tpu.memory_space<vmem>>
    tpu.wait_dma2 semaphore(%arg17 : memref<!tpu.dma_semaphore, #tpu.memory_space<semaphore_mem>>) src(%dma_wait3A_370 : memref<128xf32, #tpu.memory_space<vmem>>) dst(%dma_wait3A_367 : memref<128xf32, #tpu.memory_space<hbm>>)
    %mul3A_371 = arith.constant 6 : i32
    %mul3A_372 = arith.muli %select_n3A_28, %mul3A_371 : i32
    %add3A_373 = arith.addi %mul3A_32, %mul3A_372 : i32
    %add3A_374 = arith.constant 2 : i32
    %add3A_375 = arith.addi %add3A_373, %add3A_374 : i32
    %dma_wait3A_376 = arith.constant 2 : i32
    %dma_wait3A_377 = arith.constant 0 : i32
    %dma_wait3A_378 = tpu.memref_slice %arg10[%dma_wait3A_376, %dma_wait3A_377] : memref<7x128xf32, #tpu.memory_space<vmem>> -> memref<1x128xf32, #tpu.memory_space<vmem>>
    %dma_wait3A_379 = tpu.memref_squeeze %dma_wait3A_378 : memref<1x128xf32, #tpu.memory_space<vmem>> -> memref<128xf32, #tpu.memory_space<vmem>>
    %dma_wait3A_380 = arith.constant 0 : i32
    %dma_wait3A_381 = tpu.memref_slice %arg4[%add3A_375, %dma_wait3A_380] : memref<200x128xf32, #tpu.memory_space<hbm>> -> memref<1x128xf32, #tpu.memory_space<hbm>>
    %dma_wait3A_382 = tpu.memref_squeeze %dma_wait3A_381 : memref<1x128xf32, #tpu.memory_space<hbm>> -> memref<128xf32, #tpu.memory_space<hbm>>
    %dma_wait3A_383 = arith.constant 0 : i32
    %dma_wait3A_384 = tpu.memref_slice %arg4[%add3A_375, %dma_wait3A_383] : memref<200x128xf32, #tpu.memory_space<hbm>> -> memref<1x128xf32, #tpu.memory_space<hbm>>
    %dma_wait3A_385 = tpu.memref_squeeze %dma_wait3A_384 : memref<1x128xf32, #tpu.memory_space<hbm>> -> memref<128xf32, #tpu.memory_space<hbm>>
    %dma_wait3A_386 = arith.constant 0 : i32
    %dma_wait3A_387 = tpu.memref_slice %arg10[%dma_wait3A_376, %dma_wait3A_386] : memref<7x128xf32, #tpu.memory_space<vmem>> -> memref<1x128xf32, #tpu.memory_space<vmem>>
    %dma_wait3A_388 = tpu.memref_squeeze %dma_wait3A_387 : memref<1x128xf32, #tpu.memory_space<vmem>> -> memref<128xf32, #tpu.memory_space<vmem>>
    tpu.wait_dma2 semaphore(%arg17 : memref<!tpu.dma_semaphore, #tpu.memory_space<semaphore_mem>>) src(%dma_wait3A_388 : memref<128xf32, #tpu.memory_space<vmem>>) dst(%dma_wait3A_385 : memref<128xf32, #tpu.memory_space<hbm>>)
    %mul3A_389 = arith.constant 6 : i32
    %mul3A_390 = arith.muli %select_n3A_28, %mul3A_389 : i32
    %add3A_391 = arith.addi %mul3A_32, %mul3A_390 : i32
    %add3A_392 = arith.constant 3 : i32
    %add3A_393 = arith.addi %add3A_391, %add3A_392 : i32
    %dma_wait3A_394 = arith.constant 3 : i32
    %dma_wait3A_395 = arith.constant 0 : i32
    %dma_wait3A_396 = tpu.memref_slice %arg10[%dma_wait3A_394, %dma_wait3A_395] : memref<7x128xf32, #tpu.memory_space<vmem>> -> memref<1x128xf32, #tpu.memory_space<vmem>>
    %dma_wait3A_397 = tpu.memref_squeeze %dma_wait3A_396 : memref<1x128xf32, #tpu.memory_space<vmem>> -> memref<128xf32, #tpu.memory_space<vmem>>
    %dma_wait3A_398 = arith.constant 0 : i32
    %dma_wait3A_399 = tpu.memref_slice %arg4[%add3A_393, %dma_wait3A_398] : memref<200x128xf32, #tpu.memory_space<hbm>> -> memref<1x128xf32, #tpu.memory_space<hbm>>
    %dma_wait3A_400 = tpu.memref_squeeze %dma_wait3A_399 : memref<1x128xf32, #tpu.memory_space<hbm>> -> memref<128xf32, #tpu.memory_space<hbm>>
    %dma_wait3A_401 = arith.constant 0 : i32
    %dma_wait3A_402 = tpu.memref_slice %arg4[%add3A_393, %dma_wait3A_401] : memref<200x128xf32, #tpu.memory_space<hbm>> -> memref<1x128xf32, #tpu.memory_space<hbm>>
    %dma_wait3A_403 = tpu.memref_squeeze %dma_wait3A_402 : memref<1x128xf32, #tpu.memory_space<hbm>> -> memref<128xf32, #tpu.memory_space<hbm>>
    %dma_wait3A_404 = arith.constant 0 : i32
    %dma_wait3A_405 = tpu.memref_slice %arg10[%dma_wait3A_394, %dma_wait3A_404] : memref<7x128xf32, #tpu.memory_space<vmem>> -> memref<1x128xf32, #tpu.memory_space<vmem>>
    %dma_wait3A_406 = tpu.memref_squeeze %dma_wait3A_405 : memref<1x128xf32, #tpu.memory_space<vmem>> -> memref<128xf32, #tpu.memory_space<vmem>>
    tpu.wait_dma2 semaphore(%arg17 : memref<!tpu.dma_semaphore, #tpu.memory_space<semaphore_mem>>) src(%dma_wait3A_406 : memref<128xf32, #tpu.memory_space<vmem>>) dst(%dma_wait3A_403 : memref<128xf32, #tpu.memory_space<hbm>>)
    %mul3A_407 = arith.constant 6 : i32
    %mul3A_408 = arith.muli %select_n3A_28, %mul3A_407 : i32
    %add3A_409 = arith.addi %mul3A_32, %mul3A_408 : i32
    %add3A_410 = arith.constant 4 : i32
    %add3A_411 = arith.addi %add3A_409, %add3A_410 : i32
    %dma_wait3A_412 = arith.constant 4 : i32
    %dma_wait3A_413 = arith.constant 0 : i32
    %dma_wait3A_414 = tpu.memref_slice %arg10[%dma_wait3A_412, %dma_wait3A_413] : memref<7x128xf32, #tpu.memory_space<vmem>> -> memref<1x128xf32, #tpu.memory_space<vmem>>
    %dma_wait3A_415 = tpu.memref_squeeze %dma_wait3A_414 : memref<1x128xf32, #tpu.memory_space<vmem>> -> memref<128xf32, #tpu.memory_space<vmem>>
    %dma_wait3A_416 = arith.constant 0 : i32
    %dma_wait3A_417 = tpu.memref_slice %arg4[%add3A_411, %dma_wait3A_416] : memref<200x128xf32, #tpu.memory_space<hbm>> -> memref<1x128xf32, #tpu.memory_space<hbm>>
    %dma_wait3A_418 = tpu.memref_squeeze %dma_wait3A_417 : memref<1x128xf32, #tpu.memory_space<hbm>> -> memref<128xf32, #tpu.memory_space<hbm>>
    %dma_wait3A_419 = arith.constant 0 : i32
    %dma_wait3A_420 = tpu.memref_slice %arg4[%add3A_411, %dma_wait3A_419] : memref<200x128xf32, #tpu.memory_space<hbm>> -> memref<1x128xf32, #tpu.memory_space<hbm>>
    %dma_wait3A_421 = tpu.memref_squeeze %dma_wait3A_420 : memref<1x128xf32, #tpu.memory_space<hbm>> -> memref<128xf32, #tpu.memory_space<hbm>>
    %dma_wait3A_422 = arith.constant 0 : i32
    %dma_wait3A_423 = tpu.memref_slice %arg10[%dma_wait3A_412, %dma_wait3A_422] : memref<7x128xf32, #tpu.memory_space<vmem>> -> memref<1x128xf32, #tpu.memory_space<vmem>>
    %dma_wait3A_424 = tpu.memref_squeeze %dma_wait3A_423 : memref<1x128xf32, #tpu.memory_space<vmem>> -> memref<128xf32, #tpu.memory_space<vmem>>
    tpu.wait_dma2 semaphore(%arg17 : memref<!tpu.dma_semaphore, #tpu.memory_space<semaphore_mem>>) src(%dma_wait3A_424 : memref<128xf32, #tpu.memory_space<vmem>>) dst(%dma_wait3A_421 : memref<128xf32, #tpu.memory_space<hbm>>)
    %mul3A_425 = arith.constant 6 : i32
    %mul3A_426 = arith.muli %select_n3A_28, %mul3A_425 : i32
    %add3A_427 = arith.addi %mul3A_32, %mul3A_426 : i32
    %add3A_428 = arith.constant 5 : i32
    %add3A_429 = arith.addi %add3A_427, %add3A_428 : i32
    %dma_wait3A_430 = arith.constant 5 : i32
    %dma_wait3A_431 = arith.constant 0 : i32
    %dma_wait3A_432 = tpu.memref_slice %arg10[%dma_wait3A_430, %dma_wait3A_431] : memref<7x128xf32, #tpu.memory_space<vmem>> -> memref<1x128xf32, #tpu.memory_space<vmem>>
    %dma_wait3A_433 = tpu.memref_squeeze %dma_wait3A_432 : memref<1x128xf32, #tpu.memory_space<vmem>> -> memref<128xf32, #tpu.memory_space<vmem>>
    %dma_wait3A_434 = arith.constant 0 : i32
    %dma_wait3A_435 = tpu.memref_slice %arg4[%add3A_429, %dma_wait3A_434] : memref<200x128xf32, #tpu.memory_space<hbm>> -> memref<1x128xf32, #tpu.memory_space<hbm>>
    %dma_wait3A_436 = tpu.memref_squeeze %dma_wait3A_435 : memref<1x128xf32, #tpu.memory_space<hbm>> -> memref<128xf32, #tpu.memory_space<hbm>>
    %dma_wait3A_437 = arith.constant 0 : i32
    %dma_wait3A_438 = tpu.memref_slice %arg4[%add3A_429, %dma_wait3A_437] : memref<200x128xf32, #tpu.memory_space<hbm>> -> memref<1x128xf32, #tpu.memory_space<hbm>>
    %dma_wait3A_439 = tpu.memref_squeeze %dma_wait3A_438 : memref<1x128xf32, #tpu.memory_space<hbm>> -> memref<128xf32, #tpu.memory_space<hbm>>
    %dma_wait3A_440 = arith.constant 0 : i32
    %dma_wait3A_441 = tpu.memref_slice %arg10[%dma_wait3A_430, %dma_wait3A_440] : memref<7x128xf32, #tpu.memory_space<vmem>> -> memref<1x128xf32, #tpu.memory_space<vmem>>
    %dma_wait3A_442 = tpu.memref_squeeze %dma_wait3A_441 : memref<1x128xf32, #tpu.memory_space<vmem>> -> memref<128xf32, #tpu.memory_space<vmem>>
    tpu.wait_dma2 semaphore(%arg17 : memref<!tpu.dma_semaphore, #tpu.memory_space<semaphore_mem>>) src(%dma_wait3A_442 : memref<128xf32, #tpu.memory_space<vmem>>) dst(%dma_wait3A_439 : memref<128xf32, #tpu.memory_space<hbm>>)
    %barrier3A = arith.constant 0 : index
    tpu.barrier barrier_id(%barrier3A)
    %eq3A_443 = arith.constant 0 : i32
    %eq3A_444 = arith.cmpi eq, %select_n3A_28, %eq3A_443 : i32
    %convert_element_type3A = arith.extui %eq3A_444 : i1 to i32
    %cond3A = arith.constant 0 : i32
    %cond3A_445 = arith.cmpi ne, %convert_element_type3A, %cond3A : i32
    scf.if %cond3A_445 {
      "tpu.region"() ({
        %run_scoped3A_678 = tpu.sem_alloc : memref<!tpu.dma_semaphore, #tpu.memory_space<semaphore_mem>>
        %dma_start3A_679 = arith.constant 0 : i32
        %dma_start3A_680 = arith.constant 0 : i32
        %dma_start3A_681 = tpu.memref_slice %arg12[%select_n3A, %dma_start3A_679, %dma_start3A_680] : memref<4x4x128xf32, #tpu.memory_space<vmem_shared>> -> memref<1x4x128xf32, #tpu.memory_space<vmem_shared>>
        %dma_start3A_682 = tpu.memref_squeeze %dma_start3A_681 : memref<1x4x128xf32, #tpu.memory_space<vmem_shared>> -> memref<4x128xf32, #tpu.memory_space<vmem_shared>>
        %dma_start3A_683 = arith.constant 0 : i32
        %dma_start3A_684 = arith.constant 0 : i32
        %dma_start3A_685 = tpu.memref_slice %arg12[%select_n3A, %dma_start3A_683, %dma_start3A_684] : memref<4x4x128xf32, #tpu.memory_space<vmem_shared>> -> memref<1x4x128xf32, #tpu.memory_space<vmem_shared>>
        %dma_start3A_686 = tpu.memref_squeeze %dma_start3A_685 : memref<1x4x128xf32, #tpu.memory_space<vmem_shared>> -> memref<4x128xf32, #tpu.memory_space<vmem_shared>>
        tpu.enqueue_dma source(%dma_start3A_686 : memref<4x128xf32, #tpu.memory_space<vmem_shared>>) target(%arg11 : memref<4x128xf32, #tpu.memory_space<vmem>>) target_semaphore(%run_scoped3A_678 : memref<!tpu.dma_semaphore, #tpu.memory_space<semaphore_mem>>)
        %dma_wait3A_687 = arith.constant 0 : i32
        %dma_wait3A_688 = arith.constant 0 : i32
        %dma_wait3A_689 = tpu.memref_slice %arg12[%select_n3A, %dma_wait3A_687, %dma_wait3A_688] : memref<4x4x128xf32, #tpu.memory_space<vmem_shared>> -> memref<1x4x128xf32, #tpu.memory_space<vmem_shared>>
        %dma_wait3A_690 = tpu.memref_squeeze %dma_wait3A_689 : memref<1x4x128xf32, #tpu.memory_space<vmem_shared>> -> memref<4x128xf32, #tpu.memory_space<vmem_shared>>
        %dma_wait3A_691 = arith.constant 0 : i32
        %dma_wait3A_692 = arith.constant 0 : i32
        %dma_wait3A_693 = tpu.memref_slice %arg12[%select_n3A, %dma_wait3A_691, %dma_wait3A_692] : memref<4x4x128xf32, #tpu.memory_space<vmem_shared>> -> memref<1x4x128xf32, #tpu.memory_space<vmem_shared>>
        %dma_wait3A_694 = tpu.memref_squeeze %dma_wait3A_693 : memref<1x4x128xf32, #tpu.memory_space<vmem_shared>> -> memref<4x128xf32, #tpu.memory_space<vmem_shared>>
        tpu.wait_dma2 semaphore(%run_scoped3A_678 : memref<!tpu.dma_semaphore, #tpu.memory_space<semaphore_mem>>) src(%dma_wait3A_694 : memref<4x128xf32, #tpu.memory_space<vmem_shared>>) dst(%arg11 : memref<4x128xf32, #tpu.memory_space<vmem>>)
        tpu.yield
      }) : () -> ()
      %get3A = arith.constant 0 : i32
      %get3A_446 = arith.index_cast %get3A : i32 to index
      %get3A_447 = arith.constant 0 : index
      %get3A_448 = tpu.vector_load %arg11[%get3A_446, %get3A_447] {strides = array<i32>} : memref<4x128xf32, #tpu.memory_space<vmem>>, vector<1x16xf32>,
      %get3A_449 = vector.shape_cast %get3A_448 : vector<1x16xf32> to vector<16xf32>
      %get3A_450 = arith.constant 0 : i32
      %get3A_451 = arith.index_cast %get3A_450 : i32 to index
      %get3A_452 = arith.constant 16 : index
      %get3A_453 = tpu.vector_load %arg11[%get3A_451, %get3A_452] {strides = array<i32>} : memref<4x128xf32, #tpu.memory_space<vmem>>, vector<1x16xf32>,
      %get3A_454 = vector.shape_cast %get3A_453 : vector<1x16xf32> to vector<16xf32>
      %get3A_455 = arith.constant 0 : i32
      %get3A_456 = arith.index_cast %get3A_455 : i32 to index
      %get3A_457 = arith.constant 32 : index
      %get3A_458 = tpu.vector_load %arg11[%get3A_456, %get3A_457] {strides = array<i32>} : memref<4x128xf32, #tpu.memory_space<vmem>>, vector<1x16xf32>,
      %get3A_459 = vector.shape_cast %get3A_458 : vector<1x16xf32> to vector<16xf32>
      %get3A_460 = arith.constant 0 : i32
      %get3A_461 = arith.index_cast %get3A_460 : i32 to index
      %get3A_462 = arith.constant 48 : index
      %get3A_463 = tpu.vector_load %arg11[%get3A_461, %get3A_462] {strides = array<i32>} : memref<4x128xf32, #tpu.memory_space<vmem>>, vector<1x16xf32>,
      %get3A_464 = vector.shape_cast %get3A_463 : vector<1x16xf32> to vector<16xf32>
      %get3A_465 = arith.constant 0 : i32
      %get3A_466 = arith.index_cast %get3A_465 : i32 to index
      %get3A_467 = arith.constant 64 : index
      %get3A_468 = tpu.vector_load %arg11[%get3A_466, %get3A_467] {strides = array<i32>} : memref<4x128xf32, #tpu.memory_space<vmem>>, vector<1x16xf32>,
      %get3A_469 = vector.shape_cast %get3A_468 : vector<1x16xf32> to vector<16xf32>
      %get3A_470 = arith.constant 0 : i32
      %get3A_471 = arith.index_cast %get3A_470 : i32 to index
      %get3A_472 = arith.constant 80 : index
      %get3A_473 = tpu.vector_load %arg11[%get3A_471, %get3A_472] {strides = array<i32>} : memref<4x128xf32, #tpu.memory_space<vmem>>, vector<1x16xf32>,
      %get3A_474 = vector.shape_cast %get3A_473 : vector<1x16xf32> to vector<16xf32>
      %get3A_475 = arith.constant 0 : i32
      %get3A_476 = arith.index_cast %get3A_475 : i32 to index
      %get3A_477 = arith.constant 96 : index
      %get3A_478 = tpu.vector_load %arg11[%get3A_476, %get3A_477] {strides = array<i32>} : memref<4x128xf32, #tpu.memory_space<vmem>>, vector<1x16xf32>,
      %get3A_479 = vector.shape_cast %get3A_478 : vector<1x16xf32> to vector<16xf32>
      %get3A_480 = arith.constant 0 : i32
      %get3A_481 = arith.index_cast %get3A_480 : i32 to index
      %get3A_482 = arith.constant 112 : index
      %get3A_483 = tpu.vector_load %arg11[%get3A_481, %get3A_482] {strides = array<i32>} : memref<4x128xf32, #tpu.memory_space<vmem>>, vector<1x16xf32>,
      %get3A_484 = vector.shape_cast %get3A_483 : vector<1x16xf32> to vector<16xf32>
      %get3A_485 = arith.constant 1 : i32
      %get3A_486 = arith.index_cast %get3A_485 : i32 to index
      %get3A_487 = arith.constant 0 : index
      %get3A_488 = tpu.vector_load %arg11[%get3A_486, %get3A_487] {strides = array<i32>} : memref<4x128xf32, #tpu.memory_space<vmem>>, vector<1x16xf32>,
      %get3A_489 = vector.shape_cast %get3A_488 : vector<1x16xf32> to vector<16xf32>
      %add3A_490 = arith.addf %get3A_449, %get3A_489 : vector<16xf32>
      %get3A_491 = arith.constant 1 : i32
      %get3A_492 = arith.index_cast %get3A_491 : i32 to index
      %get3A_493 = arith.constant 16 : index
      %get3A_494 = tpu.vector_load %arg11[%get3A_492, %get3A_493] {strides = array<i32>} : memref<4x128xf32, #tpu.memory_space<vmem>>, vector<1x16xf32>,
      %get3A_495 = vector.shape_cast %get3A_494 : vector<1x16xf32> to vector<16xf32>
      %add3A_496 = arith.addf %get3A_454, %get3A_495 : vector<16xf32>
      %get3A_497 = arith.constant 1 : i32
      %get3A_498 = arith.index_cast %get3A_497 : i32 to index
      %get3A_499 = arith.constant 32 : index
      %get3A_500 = tpu.vector_load %arg11[%get3A_498, %get3A_499] {strides = array<i32>} : memref<4x128xf32, #tpu.memory_space<vmem>>, vector<1x16xf32>,
      %get3A_501 = vector.shape_cast %get3A_500 : vector<1x16xf32> to vector<16xf32>
      %add3A_502 = arith.addf %get3A_459, %get3A_501 : vector<16xf32>
      %get3A_503 = arith.constant 1 : i32
      %get3A_504 = arith.index_cast %get3A_503 : i32 to index
      %get3A_505 = arith.constant 48 : index
      %get3A_506 = tpu.vector_load %arg11[%get3A_504, %get3A_505] {strides = array<i32>} : memref<4x128xf32, #tpu.memory_space<vmem>>, vector<1x16xf32>,
      %get3A_507 = vector.shape_cast %get3A_506 : vector<1x16xf32> to vector<16xf32>
      %add3A_508 = arith.addf %get3A_464, %get3A_507 : vector<16xf32>
      %get3A_509 = arith.constant 1 : i32
      %get3A_510 = arith.index_cast %get3A_509 : i32 to index
      %get3A_511 = arith.constant 64 : index
      %get3A_512 = tpu.vector_load %arg11[%get3A_510, %get3A_511] {strides = array<i32>} : memref<4x128xf32, #tpu.memory_space<vmem>>, vector<1x16xf32>,
      %get3A_513 = vector.shape_cast %get3A_512 : vector<1x16xf32> to vector<16xf32>
      %add3A_514 = arith.addf %get3A_469, %get3A_513 : vector<16xf32>
      %get3A_515 = arith.constant 1 : i32
      %get3A_516 = arith.index_cast %get3A_515 : i32 to index
      %get3A_517 = arith.constant 80 : index
      %get3A_518 = tpu.vector_load %arg11[%get3A_516, %get3A_517] {strides = array<i32>} : memref<4x128xf32, #tpu.memory_space<vmem>>, vector<1x16xf32>,
      %get3A_519 = vector.shape_cast %get3A_518 : vector<1x16xf32> to vector<16xf32>
      %add3A_520 = arith.addf %get3A_474, %get3A_519 : vector<16xf32>
      %get3A_521 = arith.constant 1 : i32
      %get3A_522 = arith.index_cast %get3A_521 : i32 to index
      %get3A_523 = arith.constant 96 : index
      %get3A_524 = tpu.vector_load %arg11[%get3A_522, %get3A_523] {strides = array<i32>} : memref<4x128xf32, #tpu.memory_space<vmem>>, vector<1x16xf32>,
      %get3A_525 = vector.shape_cast %get3A_524 : vector<1x16xf32> to vector<16xf32>
      %add3A_526 = arith.addf %get3A_479, %get3A_525 : vector<16xf32>
      %get3A_527 = arith.constant 1 : i32
      %get3A_528 = arith.index_cast %get3A_527 : i32 to index
      %get3A_529 = arith.constant 112 : index
      %get3A_530 = tpu.vector_load %arg11[%get3A_528, %get3A_529] {strides = array<i32>} : memref<4x128xf32, #tpu.memory_space<vmem>>, vector<1x16xf32>,
      %get3A_531 = vector.shape_cast %get3A_530 : vector<1x16xf32> to vector<16xf32>
      %add3A_532 = arith.addf %get3A_484, %get3A_531 : vector<16xf32>
      %get3A_533 = arith.constant 2 : i32
      %get3A_534 = arith.index_cast %get3A_533 : i32 to index
      %get3A_535 = arith.constant 0 : index
      %get3A_536 = tpu.vector_load %arg11[%get3A_534, %get3A_535] {strides = array<i32>} : memref<4x128xf32, #tpu.memory_space<vmem>>, vector<1x16xf32>,
      %get3A_537 = vector.shape_cast %get3A_536 : vector<1x16xf32> to vector<16xf32>
      %add3A_538 = arith.addf %add3A_490, %get3A_537 : vector<16xf32>
      %get3A_539 = arith.constant 2 : i32
      %get3A_540 = arith.index_cast %get3A_539 : i32 to index
      %get3A_541 = arith.constant 16 : index
      %get3A_542 = tpu.vector_load %arg11[%get3A_540, %get3A_541] {strides = array<i32>} : memref<4x128xf32, #tpu.memory_space<vmem>>, vector<1x16xf32>,
      %get3A_543 = vector.shape_cast %get3A_542 : vector<1x16xf32> to vector<16xf32>
      %add3A_544 = arith.addf %add3A_496, %get3A_543 : vector<16xf32>
      %get3A_545 = arith.constant 2 : i32
      %get3A_546 = arith.index_cast %get3A_545 : i32 to index
      %get3A_547 = arith.constant 32 : index
      %get3A_548 = tpu.vector_load %arg11[%get3A_546, %get3A_547] {strides = array<i32>} : memref<4x128xf32, #tpu.memory_space<vmem>>, vector<1x16xf32>,
      %get3A_549 = vector.shape_cast %get3A_548 : vector<1x16xf32> to vector<16xf32>
      %add3A_550 = arith.addf %add3A_502, %get3A_549 : vector<16xf32>
      %get3A_551 = arith.constant 2 : i32
      %get3A_552 = arith.index_cast %get3A_551 : i32 to index
      %get3A_553 = arith.constant 48 : index
      %get3A_554 = tpu.vector_load %arg11[%get3A_552, %get3A_553] {strides = array<i32>} : memref<4x128xf32, #tpu.memory_space<vmem>>, vector<1x16xf32>,
      %get3A_555 = vector.shape_cast %get3A_554 : vector<1x16xf32> to vector<16xf32>
      %add3A_556 = arith.addf %add3A_508, %get3A_555 : vector<16xf32>
      %get3A_557 = arith.constant 2 : i32
      %get3A_558 = arith.index_cast %get3A_557 : i32 to index
      %get3A_559 = arith.constant 64 : index
      %get3A_560 = tpu.vector_load %arg11[%get3A_558, %get3A_559] {strides = array<i32>} : memref<4x128xf32, #tpu.memory_space<vmem>>, vector<1x16xf32>,
      %get3A_561 = vector.shape_cast %get3A_560 : vector<1x16xf32> to vector<16xf32>
      %add3A_562 = arith.addf %add3A_514, %get3A_561 : vector<16xf32>
      %get3A_563 = arith.constant 2 : i32
      %get3A_564 = arith.index_cast %get3A_563 : i32 to index
      %get3A_565 = arith.constant 80 : index
      %get3A_566 = tpu.vector_load %arg11[%get3A_564, %get3A_565] {strides = array<i32>} : memref<4x128xf32, #tpu.memory_space<vmem>>, vector<1x16xf32>,
      %get3A_567 = vector.shape_cast %get3A_566 : vector<1x16xf32> to vector<16xf32>
      %add3A_568 = arith.addf %add3A_520, %get3A_567 : vector<16xf32>
      %get3A_569 = arith.constant 2 : i32
      %get3A_570 = arith.index_cast %get3A_569 : i32 to index
      %get3A_571 = arith.constant 96 : index
      %get3A_572 = tpu.vector_load %arg11[%get3A_570, %get3A_571] {strides = array<i32>} : memref<4x128xf32, #tpu.memory_space<vmem>>, vector<1x16xf32>,
      %get3A_573 = vector.shape_cast %get3A_572 : vector<1x16xf32> to vector<16xf32>
      %add3A_574 = arith.addf %add3A_526, %get3A_573 : vector<16xf32>
      %get3A_575 = arith.constant 2 : i32
      %get3A_576 = arith.index_cast %get3A_575 : i32 to index
      %get3A_577 = arith.constant 112 : index
      %get3A_578 = tpu.vector_load %arg11[%get3A_576, %get3A_577] {strides = array<i32>} : memref<4x128xf32, #tpu.memory_space<vmem>>, vector<1x16xf32>,
      %get3A_579 = vector.shape_cast %get3A_578 : vector<1x16xf32> to vector<16xf32>
      %add3A_580 = arith.addf %add3A_532, %get3A_579 : vector<16xf32>
      %get3A_581 = arith.constant 3 : i32
      %get3A_582 = arith.index_cast %get3A_581 : i32 to index
      %get3A_583 = arith.constant 0 : index
      %get3A_584 = tpu.vector_load %arg11[%get3A_582, %get3A_583] {strides = array<i32>} : memref<4x128xf32, #tpu.memory_space<vmem>>, vector<1x16xf32>,
      %get3A_585 = vector.shape_cast %get3A_584 : vector<1x16xf32> to vector<16xf32>
      %add3A_586 = arith.addf %add3A_538, %get3A_585 : vector<16xf32>
      %get3A_587 = arith.constant 3 : i32
      %get3A_588 = arith.index_cast %get3A_587 : i32 to index
      %get3A_589 = arith.constant 16 : index
      %get3A_590 = tpu.vector_load %arg11[%get3A_588, %get3A_589] {strides = array<i32>} : memref<4x128xf32, #tpu.memory_space<vmem>>, vector<1x16xf32>,
      %get3A_591 = vector.shape_cast %get3A_590 : vector<1x16xf32> to vector<16xf32>
      %add3A_592 = arith.addf %add3A_544, %get3A_591 : vector<16xf32>
      %get3A_593 = arith.constant 3 : i32
      %get3A_594 = arith.index_cast %get3A_593 : i32 to index
      %get3A_595 = arith.constant 32 : index
      %get3A_596 = tpu.vector_load %arg11[%get3A_594, %get3A_595] {strides = array<i32>} : memref<4x128xf32, #tpu.memory_space<vmem>>, vector<1x16xf32>,
      %get3A_597 = vector.shape_cast %get3A_596 : vector<1x16xf32> to vector<16xf32>
      %add3A_598 = arith.addf %add3A_550, %get3A_597 : vector<16xf32>
      %get3A_599 = arith.constant 3 : i32
      %get3A_600 = arith.index_cast %get3A_599 : i32 to index
      %get3A_601 = arith.constant 48 : index
      %get3A_602 = tpu.vector_load %arg11[%get3A_600, %get3A_601] {strides = array<i32>} : memref<4x128xf32, #tpu.memory_space<vmem>>, vector<1x16xf32>,
      %get3A_603 = vector.shape_cast %get3A_602 : vector<1x16xf32> to vector<16xf32>
      %add3A_604 = arith.addf %add3A_556, %get3A_603 : vector<16xf32>
      %get3A_605 = arith.constant 3 : i32
      %get3A_606 = arith.index_cast %get3A_605 : i32 to index
      %get3A_607 = arith.constant 64 : index
      %get3A_608 = tpu.vector_load %arg11[%get3A_606, %get3A_607] {strides = array<i32>} : memref<4x128xf32, #tpu.memory_space<vmem>>, vector<1x16xf32>,
      %get3A_609 = vector.shape_cast %get3A_608 : vector<1x16xf32> to vector<16xf32>
      %add3A_610 = arith.addf %add3A_562, %get3A_609 : vector<16xf32>
      %get3A_611 = arith.constant 3 : i32
      %get3A_612 = arith.index_cast %get3A_611 : i32 to index
      %get3A_613 = arith.constant 80 : index
      %get3A_614 = tpu.vector_load %arg11[%get3A_612, %get3A_613] {strides = array<i32>} : memref<4x128xf32, #tpu.memory_space<vmem>>, vector<1x16xf32>,
      %get3A_615 = vector.shape_cast %get3A_614 : vector<1x16xf32> to vector<16xf32>
      %add3A_616 = arith.addf %add3A_568, %get3A_615 : vector<16xf32>
      %get3A_617 = arith.constant 3 : i32
      %get3A_618 = arith.index_cast %get3A_617 : i32 to index
      %get3A_619 = arith.constant 96 : index
      %get3A_620 = tpu.vector_load %arg11[%get3A_618, %get3A_619] {strides = array<i32>} : memref<4x128xf32, #tpu.memory_space<vmem>>, vector<1x16xf32>,
      %get3A_621 = vector.shape_cast %get3A_620 : vector<1x16xf32> to vector<16xf32>
      %add3A_622 = arith.addf %add3A_574, %get3A_621 : vector<16xf32>
      %get3A_623 = arith.constant 3 : i32
      %get3A_624 = arith.index_cast %get3A_623 : i32 to index
      %get3A_625 = arith.constant 112 : index
      %get3A_626 = tpu.vector_load %arg11[%get3A_624, %get3A_625] {strides = array<i32>} : memref<4x128xf32, #tpu.memory_space<vmem>>, vector<1x16xf32>,
      %get3A_627 = vector.shape_cast %get3A_626 : vector<1x16xf32> to vector<16xf32>
      %add3A_628 = arith.addf %add3A_580, %get3A_627 : vector<16xf32>
      %swap3A_629 = arith.constant 6 : i32
      %swap3A_630 = arith.index_cast %swap3A_629 : i32 to index
      %swap3A_631 = arith.constant 0 : index
      %swap3A_632 = tpu.vector_load %arg10[%swap3A_630, %swap3A_631] {strides = array<i32>} : memref<7x128xf32, #tpu.memory_space<vmem>>, vector<1x16xf32>,
      %swap3A_633 = vector.shape_cast %swap3A_632 : vector<1x16xf32> to vector<16xf32>
      %swap3A_634 = vector.shape_cast %add3A_586 : vector<16xf32> to vector<1x16xf32>
      tpu.vector_store %arg10[%swap3A_630, %swap3A_631], %swap3A_634 {strides = array<i32>} : memref<7x128xf32, #tpu.memory_space<vmem>>, vector<1x16xf32>,
      %swap3A_635 = arith.constant 6 : i32
      %swap3A_636 = arith.index_cast %swap3A_635 : i32 to index
      %swap3A_637 = arith.constant 16 : index
      %swap3A_638 = tpu.vector_load %arg10[%swap3A_636, %swap3A_637] {strides = array<i32>} : memref<7x128xf32, #tpu.memory_space<vmem>>, vector<1x16xf32>,
      %swap3A_639 = vector.shape_cast %swap3A_638 : vector<1x16xf32> to vector<16xf32>
      %swap3A_640 = vector.shape_cast %add3A_592 : vector<16xf32> to vector<1x16xf32>
      tpu.vector_store %arg10[%swap3A_636, %swap3A_637], %swap3A_640 {strides = array<i32>} : memref<7x128xf32, #tpu.memory_space<vmem>>, vector<1x16xf32>,
      %swap3A_641 = arith.constant 6 : i32
      %swap3A_642 = arith.index_cast %swap3A_641 : i32 to index
      %swap3A_643 = arith.constant 32 : index
      %swap3A_644 = tpu.vector_load %arg10[%swap3A_642, %swap3A_643] {strides = array<i32>} : memref<7x128xf32, #tpu.memory_space<vmem>>, vector<1x16xf32>,
      %swap3A_645 = vector.shape_cast %swap3A_644 : vector<1x16xf32> to vector<16xf32>
      %swap3A_646 = vector.shape_cast %add3A_598 : vector<16xf32> to vector<1x16xf32>
      tpu.vector_store %arg10[%swap3A_642, %swap3A_643], %swap3A_646 {strides = array<i32>} : memref<7x128xf32, #tpu.memory_space<vmem>>, vector<1x16xf32>,
      %swap3A_647 = arith.constant 6 : i32
      %swap3A_648 = arith.index_cast %swap3A_647 : i32 to index
      %swap3A_649 = arith.constant 48 : index
      %swap3A_650 = tpu.vector_load %arg10[%swap3A_648, %swap3A_649] {strides = array<i32>} : memref<7x128xf32, #tpu.memory_space<vmem>>, vector<1x16xf32>,
      %swap3A_651 = vector.shape_cast %swap3A_650 : vector<1x16xf32> to vector<16xf32>
      %swap3A_652 = vector.shape_cast %add3A_604 : vector<16xf32> to vector<1x16xf32>
      tpu.vector_store %arg10[%swap3A_648, %swap3A_649], %swap3A_652 {strides = array<i32>} : memref<7x128xf32, #tpu.memory_space<vmem>>, vector<1x16xf32>,
      %swap3A_653 = arith.constant 6 : i32
      %swap3A_654 = arith.index_cast %swap3A_653 : i32 to index
      %swap3A_655 = arith.constant 64 : index
      %swap3A_656 = tpu.vector_load %arg10[%swap3A_654, %swap3A_655] {strides = array<i32>} : memref<7x128xf32, #tpu.memory_space<vmem>>, vector<1x16xf32>,
      %swap3A_657 = vector.shape_cast %swap3A_656 : vector<1x16xf32> to vector<16xf32>
      %swap3A_658 = vector.shape_cast %add3A_610 : vector<16xf32> to vector<1x16xf32>
      tpu.vector_store %arg10[%swap3A_654, %swap3A_655], %swap3A_658 {strides = array<i32>} : memref<7x128xf32, #tpu.memory_space<vmem>>, vector<1x16xf32>,
      %swap3A_659 = arith.constant 6 : i32
      %swap3A_660 = arith.index_cast %swap3A_659 : i32 to index
      %swap3A_661 = arith.constant 80 : index
      %swap3A_662 = tpu.vector_load %arg10[%swap3A_660, %swap3A_661] {strides = array<i32>} : memref<7x128xf32, #tpu.memory_space<vmem>>, vector<1x16xf32>,
      %swap3A_663 = vector.shape_cast %swap3A_662 : vector<1x16xf32> to vector<16xf32>
      %swap3A_664 = vector.shape_cast %add3A_616 : vector<16xf32> to vector<1x16xf32>
      tpu.vector_store %arg10[%swap3A_660, %swap3A_661], %swap3A_664 {strides = array<i32>} : memref<7x128xf32, #tpu.memory_space<vmem>>, vector<1x16xf32>,
      %swap3A_665 = arith.constant 6 : i32
      %swap3A_666 = arith.index_cast %swap3A_665 : i32 to index
      %swap3A_667 = arith.constant 96 : index
      %swap3A_668 = tpu.vector_load %arg10[%swap3A_666, %swap3A_667] {strides = array<i32>} : memref<7x128xf32, #tpu.memory_space<vmem>>, vector<1x16xf32>,
      %swap3A_669 = vector.shape_cast %swap3A_668 : vector<1x16xf32> to vector<16xf32>
      %swap3A_670 = vector.shape_cast %add3A_622 : vector<16xf32> to vector<1x16xf32>
      tpu.vector_store %arg10[%swap3A_666, %swap3A_667], %swap3A_670 {strides = array<i32>} : memref<7x128xf32, #tpu.memory_space<vmem>>, vector<1x16xf32>,
      %swap3A_671 = arith.constant 6 : i32
      %swap3A_672 = arith.index_cast %swap3A_671 : i32 to index
      %swap3A_673 = arith.constant 112 : index
      %swap3A_674 = tpu.vector_load %arg10[%swap3A_672, %swap3A_673] {strides = array<i32>} : memref<7x128xf32, #tpu.memory_space<vmem>>, vector<1x16xf32>,
      %swap3A_675 = vector.shape_cast %swap3A_674 : vector<1x16xf32> to vector<16xf32>
      %swap3A_676 = vector.shape_cast %add3A_628 : vector<16xf32> to vector<1x16xf32>
      tpu.vector_store %arg10[%swap3A_672, %swap3A_673], %swap3A_676 {strides = array<i32>} : memref<7x128xf32, #tpu.memory_space<vmem>>, vector<1x16xf32>,
      %run_scoped3A_677 = arith.constant 6 : i32
      "tpu.region"() ({
        %run_scoped3A_678 = tpu.sem_alloc : memref<!tpu.dma_semaphore, #tpu.memory_space<semaphore_mem>>
        %dma_start3A_679 = arith.constant 0 : i32
        %dma_start3A_680 = tpu.memref_slice %arg10[%run_scoped3A_677, %dma_start3A_679] : memref<7x128xf32, #tpu.memory_space<vmem>> -> memref<1x128xf32, #tpu.memory_space<vmem>>
        %dma_start3A_681 = tpu.memref_squeeze %dma_start3A_680 : memref<1x128xf32, #tpu.memory_space<vmem>> -> memref<128xf32, #tpu.memory_space<vmem>>
        %dma_start3A_682 = arith.constant 0 : i32
        %dma_start3A_683 = tpu.memref_slice %arg4[%add3A_34, %dma_start3A_682] : memref<200x128xf32, #tpu.memory_space<hbm>> -> memref<1x128xf32, #tpu.memory_space<hbm>>
        %dma_start3A_684 = tpu.memref_squeeze %dma_start3A_683 : memref<1x128xf32, #tpu.memory_space<hbm>> -> memref<128xf32, #tpu.memory_space<hbm>>
        %dma_start3A_685 = arith.constant 0 : i32
        %dma_start3A_686 = tpu.memref_slice %arg4[%add3A_34, %dma_start3A_685] : memref<200x128xf32, #tpu.memory_space<hbm>> -> memref<1x128xf32, #tpu.memory_space<hbm>>
        %dma_start3A_687 = tpu.memref_squeeze %dma_start3A_686 : memref<1x128xf32, #tpu.memory_space<hbm>> -> memref<128xf32, #tpu.memory_space<hbm>>
        %dma_start3A_688 = arith.constant 0 : i32
        %dma_start3A_689 = tpu.memref_slice %arg10[%run_scoped3A_677, %dma_start3A_688] : memref<7x128xf32, #tpu.memory_space<vmem>> -> memref<1x128xf32, #tpu.memory_space<vmem>>
        %dma_start3A_690 = tpu.memref_squeeze %dma_start3A_689 : memref<1x128xf32, #tpu.memory_space<vmem>> -> memref<128xf32, #tpu.memory_space<vmem>>
        tpu.enqueue_dma source(%dma_start3A_690 : memref<128xf32, #tpu.memory_space<vmem>>) target(%dma_start3A_687 : memref<128xf32, #tpu.memory_space<hbm>>) target_semaphore(%run_scoped3A_678 : memref<!tpu.dma_semaphore, #tpu.memory_space<semaphore_mem>>)
        %dma_wait3A_691 = arith.constant 0 : i32
        %dma_wait3A_692 = tpu.memref_slice %arg10[%run_scoped3A_677, %dma_wait3A_691] : memref<7x128xf32, #tpu.memory_space<vmem>> -> memref<1x128xf32, #tpu.memory_space<vmem>>
        %dma_wait3A_693 = tpu.memref_squeeze %dma_wait3A_692 : memref<1x128xf32, #tpu.memory_space<vmem>> -> memref<128xf32, #tpu.memory_space<vmem>>
        %dma_wait3A_694 = arith.constant 0 : i32
        %dma_wait3A_695 = tpu.memref_slice %arg4[%add3A_34, %dma_wait3A_694] : memref<200x128xf32, #tpu.memory_space<hbm>> -> memref<1x128xf32, #tpu.memory_space<hbm>>
        %dma_wait3A_696 = tpu.memref_squeeze %dma_wait3A_695 : memref<1x128xf32, #tpu.memory_space<hbm>> -> memref<128xf32, #tpu.memory_space<hbm>>
        %dma_wait3A_697 = arith.constant 0 : i32
        %dma_wait3A_698 = tpu.memref_slice %arg4[%add3A_34, %dma_wait3A_697] : memref<200x128xf32, #tpu.memory_space<hbm>> -> memref<1x128xf32, #tpu.memory_space<hbm>>
        %dma_wait3A_699 = tpu.memref_squeeze %dma_wait3A_698 : memref<1x128xf32, #tpu.memory_space<hbm>> -> memref<128xf32, #tpu.memory_space<hbm>>
        %dma_wait3A_700 = arith.constant 0 : i32
        %dma_wait3A_701 = tpu.memref_slice %arg10[%run_scoped3A_677, %dma_wait3A_700] : memref<7x128xf32, #tpu.memory_space<vmem>> -> memref<1x128xf32, #tpu.memory_space<vmem>>
        %dma_wait3A_702 = tpu.memref_squeeze %dma_wait3A_701 : memref<1x128xf32, #tpu.memory_space<vmem>> -> memref<128xf32, #tpu.memory_space<vmem>>
        tpu.wait_dma2 semaphore(%run_scoped3A_678 : memref<!tpu.dma_semaphore, #tpu.memory_space<semaphore_mem>>) src(%dma_wait3A_702 : memref<128xf32, #tpu.memory_space<vmem>>) dst(%dma_wait3A_699 : memref<128xf32, #tpu.memory_space<hbm>>)
        tpu.yield
      }) : () -> ()
    } else {
    }
    return
  }
}

</mosaic_0001>

<sc_bundles>
// kernel: kernel.3.cloned.1.call-start
scs
__scs_entry_jumppad:
0x0: {  	(pc) =	sbr.rel $0x88, $3  }
0x1: {  	(tag) =	ssettag $0x0;
	lr =	simm.s32 $0x1  }
0x2: {  	[smem:$0x3F9F] =	sst lr;
	_ =	strace $0xD0000000  }
0x3: {  	_ = 	snop  }
0x4: {  	_ = 	snop  }
0x5: {  	_ = 	snop  }
0x6: {  	_ = 	snop  }
0x7: {  	_ = 	snop  }
__scs_overlays_trampoline_lowered:
0x8: {  	[smem:$0x3FAE] =	sst s0  }
0x9: {  	[smem:$0x3FAF] =	sst s1  }
0xa: {  	[smem:$0x3FB0] =	sst s2  }
0xb: {  	[smem:$0x3FB1] =	sst s3  }
0xc: {  	[smem:$0x3FB2] =	sst s4  }
0xd: {  	[smem:$0x3FB3] =	sst s5  }
0xe: {  	[smem:$0x3FB4] =	sst s6  }
0xf: {  	[smem:$0x3FB5] =	sst s7  }
0x10: {  	[smem:$0x3FB6] =	sst s8  }
0x11: {  	[smem:$0x3FB7] =	sst s9;
	s0 =	simm.s32 @!p0 $0x0  }
0x12: {  	s1 =	sld [smem:$0x3F9D];
	s0 =	simm.s32 @p0 $0x1  }
0x13: {  	[smem:$0x3FB8] =	sst s0;
	s0 =	simm.s32 @!p1 $0x0  }
0x14: {  	s2 =	sld [smem:$0x3F9C];
	s0 =	simm.s32 @p1 $0x1  }
0x15: {  	[smem:$0x3FB9] =	sst s0;
	s0 =	simm.s32 @!p2 $0x0  }
0x16: {  	s3 =	sld [smem:$0x3FDB];
	s0 =	simm.s32 @p2 $0x1  }
0x17: {  	s4 =	simm.s32 $0x1BF5;
	[smem:$0x3FBB] =	sst s0  }
0x18: {  	s0 =	sld [smem:$0x3F9E];
	_ =	swait.ge [sflag:s4], $0x0  }
0x19: {  	s7 =	sld [smem:$0x3F9F]  }
0x1a: {  	s8 =	sadd.s32 $0xFFFFE003, lr  }
0x1b: {  	s9 =	sadd.s32 $0xFFFFFEF7, lr;
	s5 =	simm.s32 $0xFFFFFFFF;
	p2 =	slt.u32 s8, $0xFFFFF086  }
0x1c: {  	p1 =	slt.u32 s9, $0xF7A;
	s5 =	simm.s32 @!p2 $0x0  }
0x1d: {  	s5 =	simm.s32 @p1 $0x1;
	p0 =	seq.s32 s7, s2  }
0x1e: {  	s7 =	smul.u32 @!p0 $0xF7A, s2;
	p2 =	seq.s32 @!p0 s5, $0x0  }
0x1f: {  	s9 =	smul.u32 $0xF7A, s1;
	s8 =	simm.s32 @!p0 $0x1BF5;
	p2 =	por !p2, p0  }
0x20: {  	[sflag:s8] =	ssyncset.s32 @!p0 $0xFFFFF086;
	s6 =	sadd.s32 @!p0 s3, s7;
	s7 =	simm.s32 @!p0 $0x108  }
0x21: {  	s3 =	sadd.s32 s3, s9;
	s6 =	sadd.s32 @!p0 $0x88, s6;
	s7 =	simm.s32 @p2 $0x1082  }
0x22: {  	[simem:s7], [sflag:s8] =	dma.local @!p0 [hbm:s6], $0xF7A  }
0x23: {  	s9 =	sor.u32 $0xD0000000, s2;
	s6 =	simm.s32 $0x108;
	_ =	swait.ge @!p0 [sflag:s8], $0x0  }
0x24: {  	s3 =	sadd.s32 $0x88, s3;
	s6 =	simm.s32 @!p1 $0x1082;
	[sflag:s4] =	ssyncset.s32 $0xFFFFF086  }
0x25: {  	[simem:s6], [sflag:s4] =	dma.local [hbm:s3], $0xF7A  }
0x26: {  	[smem:$0x3F9F] =	sst s1;
	(tag) =	ssettag s2;
	_ =	strace s9  }
0x27: {  	s1 =	sld [smem:$0x3FAF]  }
0x28: {  	s2 =	sld [smem:$0x3FB0]  }
0x29: {  	s4 =	sld [smem:$0x3FB2]  }
0x2a: {  	p0 =	seq.s32 s5, $0x0;
	s5 =	sld [smem:$0x3FB3]  }
0x2b: {  	s6 =	sld [smem:$0x3FB4]  }
0x2c: {  	s7 =	sld [smem:$0x3FB5]  }
0x2d: {  	s3 =	simm.s32 $0x108;
	s8 =	sld [smem:$0x3FB6]  }
0x2e: {  	s3 =	simm.s32 @!p0 $0x1082;
	s9 =	sld [smem:$0x3FB7]  }
0x2f: {  	lr =	sadd.s32 s0, s3;
	s0 =	sld [smem:$0x3FAE]  }
0x30: {  	s3 =	sld [smem:$0x3FB1]  }
0x31: {  	[smem:$0x3FBA] =	sst s10  }
0x32: {  	s10 =	sld [smem:$0x3FB8];
	_ =	sdelay $0x3  }
0x33: {  	p0 =	seq.s32 s10, $0x1;
	s10 =	sld [smem:$0x3FBA];
	_ =	sdelay $0x3  }
0x34: {  	[smem:$0x3FBA] =	sst s10  }
0x35: {  	s10 =	sld [smem:$0x3FB9];
	_ =	sdelay $0x3  }
0x36: {  	p1 =	seq.s32 s10, $0x1;
	s10 =	sld [smem:$0x3FBA];
	_ =	sdelay $0x3  }
0x37: {  	[smem:$0x3FBA] =	sst s10  }
0x38: {  	s10 =	sld [smem:$0x3FBB]  }
0x39: {  	_ = 	snop;
	(pc) =	sbr.ind lr, $3  }
0x3a: {  	_ = 	snop  }
0x3b: {  	_ = 	snop  }
0x3c: {  	p2 =	seq.s32 s10, $0x1;
	s10 =	sld [smem:$0x3FBA]  }
0x3d: {  	_ =	shalt  }
0x3e: {  	_ =	shalt  }
0x3f: {  	_ =	shalt  }
0x40: {  	_ =	shalt  }
0x41: {  	_ =	shalt  }
0x42: {  	_ =	shalt  }
0x43: {  	_ =	shalt  }
0x44: {  	_ =	shalt  }
0x45: {  	_ =	shalt  }
0x46: {  	_ =	shalt  }
0x47: {  	_ =	shalt  }
0x48: {  	_ =	shalt  }
0x49: {  	_ =	shalt  }
0x4a: {  	_ =	shalt  }
0x4b: {  	_ =	shalt  }
0x4c: {  	_ =	shalt  }
0x4d: {  	_ =	shalt  }
0x4e: {  	_ =	shalt  }
0x4f: {  	_ =	shalt  }
0x50: {  	_ =	shalt  }
0x51: {  	_ =	shalt  }
0x52: {  	_ =	shalt  }
0x53: {  	_ =	shalt  }
0x54: {  	_ =	shalt  }
0x55: {  	_ =	shalt  }
0x56: {  	_ =	shalt  }
0x57: {  	_ =	shalt  }
0x58: {  	_ =	shalt  }
0x59: {  	_ =	shalt  }
0x5a: {  	_ =	shalt  }
0x5b: {  	_ =	shalt  }
0x5c: {  	_ =	shalt  }
0x5d: {  	_ =	shalt  }
0x5e: {  	_ =	shalt  }
0x5f: {  	_ =	shalt  }
0x60: {  	_ =	shalt  }
0x61: {  	_ =	shalt  }
0x62: {  	_ =	shalt  }
0x63: {  	_ =	shalt  }
0x64: {  	_ =	shalt  }
0x65: {  	_ =	shalt  }
0x66: {  	_ =	shalt  }
0x67: {  	_ =	shalt  }
0x68: {  	_ =	shalt  }
0x69: {  	_ =	shalt  }
0x6a: {  	_ =	shalt  }
0x6b: {  	_ =	shalt  }
0x6c: {  	_ =	shalt  }
0x6d: {  	_ =	shalt  }
0x6e: {  	_ =	shalt  }
0x6f: {  	_ =	shalt  }
0x70: {  	_ =	shalt  }
0x71: {  	_ =	shalt  }
0x72: {  	_ =	shalt  }
0x73: {  	_ =	shalt  }
0x74: {  	_ =	shalt  }
0x75: {  	_ =	shalt  }
0x76: {  	_ =	shalt  }
0x77: {  	_ =	shalt  }
0x78: {  	_ =	shalt  }
0x79: {  	_ =	shalt  }
0x7a: {  	_ =	shalt  }
0x7b: {  	_ =	shalt  }
0x7c: {  	_ =	shalt  }
0x7d: {  	_ =	shalt  }
0x7e: {  	_ =	shalt  }
0x7f: {  	_ =	shalt  }
0x80: {  	_ =	shalt  }
0x81: {  	_ =	shalt  }
0x82: {  	_ =	shalt  }
0x83: {  	_ =	shalt  }
0x84: {  	_ =	shalt  }
0x85: {  	_ =	shalt  }
0x86: {  	_ =	shalt  }
0x87: {  	_ =	shalt  }
.Lfunc_end0:
.L_simem_size_0:
called_computation_lowered:
.L_overlay_start_0:
0x88: {  	s2 =	sld [smem:$0x3FD9]  }
0x89: {  	s3 =	sld [smem:$0x3FFE];
	_ =	sdelay $0x1  }
0x8a: {  	s1 =	srdreg.scid  }
0x8b: {  	s0 =	sand.u32 $0x1, s1  }
0x8c: {  	s17 =	sshll.u32 s0, $0xA;
	s2 =	sadd.s32 s3, s2  }
0x8d: {  	s2 =	sadd.s32 s2, s17  }
0x8e: {  	[smem:$0x3FC6] =	sst s2  }
0x8f: {  	_ = 	snop  }
0x90: {  	s2 =	sld [smem:$0x3FC8]  }
0x91: {  	s18 =	sld [smem:$0x3FD0];
	(tm) =	ssettm $0x1  }
0x92: {  	s4 =	sld [smem:$0x3FFB];
	_ =	sdelay $0x3  }
0x93: {  	_ =	strace s4  }
0x94: {  	s4 =	sld [smem:$0x3FFC];
	_ =	sdelay $0x3  }
0x95: {  	_ =	strace s4  }
0x96: {  	s4 =	sld [smem:$0x3FFD];
	_ =	sdelay $0x3  }
0x97: {  	_ =	strace s4  }
0x98: {  	_ =	strace $0x8FFFFFFF  }
0x99: {  	s19 =	sld [smem:$0x3FDB];
	_ =	sdelay $0x1  }
0x9a: {  	s5 =	simm.s32 $_scs_section_size  }
0x9b: {  	s6 =	simm.s32 $_size__tile_overlayer_lowered;
	s7 =	simm.s32 $_tile_overlayer_lowered  }
0x9c: {  	s22 =	simm.s32 $0x1BFF;
	s21 =	sshll.u32 s7, $0x1;
	s4 =	sadd.s32 s5, s19  }
0x9d: {  	s8 =	simm.s32 $0x0;
	s20 =	sshll.u32 s6, $0x1;
	s6 =	sadd.s32 s21, s4  }
0x9e: {  	[timem:s8], [sflag:s22] =	dma.local [hbm:s6], s20  }
0x9f: {  	_ =	swait.ge [sflag:s22], s20  }
0xa0: {  	s5 =	ssub.s32 $0x0, s20;
	[sflag:s22] =	ssyncset.done $0x0  }
0xa1: {  	[sflag:s22] =	ssyncadd.s32 s5;
	_ =	sdelay $0x1  }
0xa2: {  	s23 =	simm.s32 $0x1B8B  }
0xa3: {  	_ =	swait.ge [sflag:s23], $0x1  }
0xa4: {  	[sflag:s23] =	ssyncset.done $0x0  }
0xa5: {  	s25 =	simm.s32 $0x1B8E;
	s24 =	sld [smem:$0x3FFE];
	[sflag:s23] =	ssyncadd.s32 $0xFFFFFFFF  }
0xa6: {  	s26 =	simm.s32 $execute0_lowered;
	[smem:$0x3FD2] =	sst s25  }
0xa7: {  	s6 =	sshll.u32 s26, $0x1;
	_ =	strace $0x80000046;
	[dreg:$0x1] =	wrdreg $0xFFFFFFFF  }
0xa8: {  	s28 =	simm.s32 $_size_execute0_lowered;
	s4 =	sadd.s32 s4, s6;
	[dreg:$0x0] =	wrdreg $0x0  }
0xa9: {  	s6 =	sshll.u32 s28, $0x1;
	[dreg:$0x2] =	wrdreg s4  }
0xaa: {  	[dreg:$0x3] =	wrdreg s6  }
0xab: {  	[dreg:$0x4] =	wrdreg $0xC0  }
0xac: {  	_ =	task [dreg:s8], $0x5FFFF  }
0xad: {  	[dreg:$0x1] =	wrdreg $0xFFFFFFFF  }
0xae: {  	[dreg:$0x0] =	wrdreg $0x60  }
0xaf: {  	[dreg:$0x2] =	wrdreg s24  }
0xb0: {  	[dreg:$0x3] =	wrdreg s2  }
0xb1: {  	[dreg:$0x4] =	wrdreg s18  }
0xb2: {  	[dreg:$0x5] =	wrdreg $0x16A000  }
0xb3: {  	[dreg:$0x6] =	wrdreg $0x9  }
0xb4: {  	_ =	task.clear_ibuf [dreg:s8], $0x7FFFF;
	_ =	strace $0x90000046  }
0xb5: {  	s29 =	simm.s32 $0x9;
	_ =	strace $0x80000048  }
0xb6: {  	_ =	swait.ge [sflag:s29], $0x1  }
0xb7: {  	[sflag:s29] =	ssyncadd.s32 $0xFFFFFFFF  }
0xb8: {  	_ =	strace $0x90000048  }
0xb9: {  	_ =	sfence  }
0xba: {  	s30 =	sld [smem:$0x0];
	_ =	sdelay $0x2  }
0xbb: {  	s31 =	sshll.u32 s1, $0xD;
	s1 =	sshrl.u32 s1, $0x2  }
0xbc: {  	s3 =	sand.u32 $0x4000, s31;
	s1 =	sadd.s32 s1, s30  }
0xbd: {  	s0 =	sor.u32 s3, s0;
	s1 =	sshll.u32 s1, $0x11  }
0xbe: {  	s0 =	sor.u32 s1, s0  }
0xbf: {  	s0 =	sadd.s32 $0x8F2B, s0  }
0xc0: {  	[sflag:s0] =	ssyncadd.remote.s32 $0x1  }
0xc1: {  	_ =	sfence.sel $0xFFFF  }
0xc2: {  	[dreg:$0x0] =	wrdreg $0xFFFFFFFF;
	(pc) =	sbr.abs _section_cstart, $3  }
0xc3: {  	[dreg:$0x1] =	wrdreg $0xFFFFFFFF  }
0xc4: {  	_ =	task.clear_ibuf [dreg:s8], $0x2FFFF;
	_ =	strace $0x9FFFFFFF  }
0xc5: {  	(tm) =	ssettm $0x7FFFFFFF  }
tec
execute0_lowered:
.L_overlay_start_1:
0x0: {  	(tag) =	ssettag $0x1  }
0x1: {  	s2 =	rddreg [dreg:$0x0]  }
0x2: {  	s0 =	srdreg.scid;
	s1 =	rddreg [dreg:$0x1]  }
0x3: {  	s4 =	stileid.u32;
	s14 =	rddreg [dreg:$0x3];
	s29 =	simm.s32 $0x4000  }
0x4: {  	s30 =	simm.s32 $0x5000;
	s31 =	simm.s32 $0x6000;
	s19 =	simm.s32 $0x4  }
0x5: {  	s20 =	simm.s32 $0x16700;
	s21 =	simm.s32 $0x0;
	s0 =	sand.u32 $0x1, s0  }
0x6: {  	s12 =	sshrl.u32 s4, $0x2;
	s15 =	sand.u32 $0x3, s4;
	s4 =	simm.s32 $0x0  }
0x7: {  	s2 =	sadd.s32 $0x400, s2;
	s3 =	sshll.u32 s0, $0x2;
	s5 =	smul.u32 $0x6, s15  }
0x8: {  	[smem:$0x7FF] =	sst s4;
	s0 =	ssub.s32 $0x2, s0;
	s18 =	sshll.u32 s15, $0x7  }
0x9: {  	p0 =	sne.s32 s15, $0x0;
	s15 =	simm.s32 $0x2;
	s13 =	sor.u32 s12, s3  }
0xa: {  	s3 =	rddreg [dreg:$0x2];
	_ =	strace $0x80000047;
	s12 =	sshll.u32 s12, $0x9  }
0xb: {  	s8 =	sshrl.u32 s0, $0x1;
	s7 =	smul.u32 $0x19, s13;
	s14 =	sadd.s32 s12, s14  }
0xc: {  	s0 =	ssub.s32 s0, s8;
	s12 =	simm.s32 $0x3;
	[dreg:$0x5] =	wrdreg s14  }
0xd: {  	s14 =	sadd.s32 s18, s14;
	s5 =	sadd.s32 s5, s7;
	s16 =	sadd.s32 $0x18, s7  }
0xe: {  	s6 =	sshll.u32 s5, $0x9;
	s17 =	sshll.u32 s16, $0x9;
	s16 =	sand.u32 $0x1F8, s16  }
0xf: {  	s6 =	sadd.s32 s2, s6;
	s13 =	sor.u32 s13, s16;
	s2 =	sadd.s32 s2, s18  }
.Ltmp0:
0x10: {  	s16 =	smax.u32 s0, $0x1;
	s18 =	simm.s32 $0x80;
	(pc) =	sbr.rel .LBB2_1-.Ltmp0, $4  }
0x11: {  	s0 =	simm.s32 $0x1;
	s7 =	sadd.s32 $0x200, s6;
	s8 =	sadd.s32 $0x400, s6  }
0x12: {  	s9 =	sadd.s32 $0x600, s6;
	s10 =	sadd.s32 $0x800, s6;
	s26 =	sshll.u32 s13, $0x4  }
0x13: {  	s11 =	sadd.s32 $0xA00, s6;
	s13 =	sadd.s32 s17, s2;
	s28 =	sadd.s32 s3, s26  }
0x14: {  	s17 =	simm.s32 $0x6;
	s2 =	simm.s32 $0x5;
	[dreg:$0x6] =	wrdreg s28  }
.LBB2_13:
0x15: {  	s21 =	sadd.s32 $0x1, s21  }
0x16: {  	p1 =	sne.s32 s21, s16  }
.Ltmp1:
0x17: {  	_ = 	snop;
	(pc) =	sbr.rel @!p1 .LBB2_14-.Ltmp1, $1  }
0x18: {  	_ =	sdelay $0x3  }
.LBB2_1:
0x19: {  	[tilespmem:s4], [sflag:$0x6] =	stream.linear.gather [hbm4b:s6+s4], $0x1000, $0x38;
	[tilespmem:$0x16A80] =	vst v63  }
0x1a: {  	_ =	swait.ge [sflag:s17], $0x1000  }
0x1b: {  	[sflag:s17] =	ssyncset.done $0x0  }
0x1c: {  	s22 =	simm.s32 $0x6400;
	[sflag:s17] =	ssyncadd.s32 $0xFFFFF000  }
0x1d: {  	[tilespmem:s22], [sflag:$0x1] =	stream.indirect.gather [hbm4b:s1+s18], $0x80, s4, s18, $0xb8;
	[tilespmem:$0x16A80] =	vst v63  }
0x1e: {  	s26 =	simm.s32 $0xA400  }
0x1f: {  	[tilespmem:s26], [sflag:$0x2] =	stream.indirect.gather [hbm4b:s1+s18], $0x80, s18, s18, $0xb8;
	[tilespmem:$0x16A80] =	vst v63  }
0x20: {  	s28 =	simm.s32 $0x100;
	s23 =	simm.s32 $0xE400  }
0x21: {  	[tilespmem:s23], [sflag:$0x3] =	stream.indirect.gather [hbm4b:s1+s18], $0x80, s28, s18, $0xb8;
	[tilespmem:$0x16A80] =	vst v63  }
0x22: {  	s24 =	simm.s32 $0x12400;
	s23 =	simm.s32 $0x180  }
0x23: {  	[tilespmem:s24], [sflag:$0x4] =	stream.indirect.gather [hbm4b:s1+s18], $0x80, s23, s18, $0xb8;
	[tilespmem:$0x16A80] =	vst v63  }
0x24: {  	s25 =	simm.s32 $0x1000  }
0x25: {  	[tilespmem:s25], [sflag:$0x5] =	stream.linear.gather [hbm4b:s7+s4], $0x1000, $0x38;
	[tilespmem:$0x16A80] =	vst v63  }
0x26: {  	s26 =	simm.s32 $0x2000  }
0x27: {  	[tilespmem:s26], [sflag:$0x5] =	stream.linear.gather [hbm4b:s8+s4], $0x1000, $0x38;
	[tilespmem:$0x16A80] =	vst v63  }
0x28: {  	s28 =	simm.s32 $0x3000  }
0x29: {  	[tilespmem:s28], [sflag:$0x5] =	stream.linear.gather [hbm4b:s9+s4], $0x1000, $0x38;
	[tilespmem:$0x16A80] =	vst v63  }
0x2a: {  	_ = 	snop  }
0x2b: {  	[tilespmem:s29], [sflag:$0x5] =	stream.linear.gather [hbm4b:s10+s4], $0x1000, $0x38;
	[tilespmem:$0x16A80] =	vst v63  }
0x2c: {  	_ = 	snop  }
0x2d: {  	[tilespmem:s30], [sflag:$0x5] =	stream.linear.gather [hbm4b:s11+s4], $0x1000, $0x38;
	[tilespmem:$0x16A80] =	vst v63  }
0x2e: {  	_ = 	snop  }
0x2f: {  	[tilespmem:s31], [sflag:$0x5] =	stream.linear.gather [hbm4b:s13+s4], $0x400, $0x38;
	[tilespmem:$0x16A80] =	vst v63  }
0x30: {  	_ =	swait.ge [sflag:s2], $0x1000  }
0x31: {  	[sflag:s2] =	ssyncset.done $0x0  }
0x32: {  	[sflag:s2] =	ssyncadd.s32 $0xFFFFF000  }
0x33: {  	_ =	swait.ge [sflag:s2], $0x1000  }
0x34: {  	[sflag:s2] =	ssyncset.done $0x0  }
0x35: {  	[sflag:s2] =	ssyncadd.s32 $0xFFFFF000  }
0x36: {  	_ =	swait.ge [sflag:s2], $0x1000  }
0x37: {  	[sflag:s2] =	ssyncset.done $0x0  }
0x38: {  	[sflag:s2] =	ssyncadd.s32 $0xFFFFF000  }
0x39: {  	_ =	swait.ge [sflag:s2], $0x1000  }
0x3a: {  	[sflag:s2] =	ssyncset.done $0x0  }
0x3b: {  	[sflag:s2] =	ssyncadd.s32 $0xFFFFF000  }
0x3c: {  	_ =	swait.ge [sflag:s2], $0x1000  }
0x3d: {  	[sflag:s2] =	ssyncset.done $0x0  }
0x3e: {  	[sflag:s2] =	ssyncadd.s32 $0xFFFFF000  }
0x3f: {  	v0 =	vimm.f32 $0.0e+00;
	v1 =	vimm.f32 $0.0e+00;
	_ =	swait.ge [sflag:s2], $0x400  }
0x40: {  	v2 =	vimm.f32 $0.0e+00;
	v3 =	vimm.f32 $0.0e+00;
	v6 =	vimm.f32 $0.0e+00;
	[sflag:s2] =	ssyncset.done $0x0  }
0x41: {  	v12 =	vimm.f32 $0.0e+00;
	v5 =	vimm.f32 $0.0e+00;
	v14 =	vimm.f32 $0.0e+00;
	s22 =	simm.s32 $0x0;
	[sflag:s2] =	ssyncadd.s32 $0xFFFFFC00  }
.LBB2_2:
0x42: {  	_ =	swait.ge [sflag:s0], $0x4000  }
0x43: {  	[sflag:s0] =	ssyncset.done $0x0  }
0x44: {  	s24 =	simm.s32 $0x0;
	[sflag:s0] =	ssyncadd.s32 $0xFFFFC000  }
0x45: {  	v15 =	vld [tilespmem:s24+$0x6480]  }
0x46: {  	v17 =	vld [tilespmem:s24+$0x6490]  }
0x47: {  	v16 =	vld [tilespmem:s24+$0x64A0]  }
0x48: {  	v18 =	vld [tilespmem:s24+$0x64B0]  }
0x49: {  	v10 =	vld [tilespmem:s24+$0x64C0]  }
0x4a: {  	v13 =	vld [tilespmem:s24+$0x64D0]  }
0x4b: {  	v23 =	vld [tilespmem:s24+$0x6400]  }
0x4c: {  	v25 =	vld [tilespmem:s24+$0x6410]  }
0x4d: {  	v19 =	vld [tilespmem:s24+$0x6420]  }
0x4e: {  	v24 =	vld [tilespmem:s24+$0x6430]  }
0x4f: {  	v21 =	vld [tilespmem:s24+$0x6440]  }
0x50: {  	v22 =	vld [tilespmem:s24+$0x6450]  }
0x51: {  	s23 =	simm.s32 $0x400;
	v20 =	vld [tilespmem:s24+$0x6460]  }
.LBB2_3:
0x52: {  	p1 =	sne.s32 s23, $0xFC00;
	v4 =	vadd.f32 v23, v14;
	v5 =	vadd.f32 v25, v5;
	v7 =	vld [tilespmem:s24+$0x6470]  }
0x53: {  	v8 =	vadd.f32 v19, v12;
	v6 =	vadd.f32 v24, v6;
	v9 =	vld [tilespmem:s24+$0x64E0]  }
0x54: {  	v14 =	vadd.f32 v15, v4;
	v5 =	vadd.f32 v17, v5;
	v4 =	vld [tilespmem:s24+$0x64F0];
	s24 =	sshra.s32 s23, $0x2  }
0x55: {  	v12 =	vadd.f32 v16, v8;
	v15 =	vld [tilespmem:s24+$0x6480];
	v6 =	vadd.f32 v18, v6  }
0x56: {  	v3 =	vadd.f32 v21, v3;
	v2 =	vadd.f32 v22, v2;
	v17 =	vld [tilespmem:s24+$0x6490]  }
0x57: {  	v1 =	vadd.f32 v20, v1;
	v16 =	vld [tilespmem:s24+$0x64A0];
	v0 =	vadd.f32 v7, v0  }
0x58: {  	v3 =	vadd.f32 v10, v3;
	v2 =	vadd.f32 v13, v2;
	v18 =	vld [tilespmem:s24+$0x64B0]  }
0x59: {  	v1 =	vadd.f32 v9, v1;
	v10 =	vld [tilespmem:s24+$0x64C0];
	v0 =	vadd.f32 v4, v0  }
0x5a: {  	v13 =	vld [tilespmem:s24+$0x64D0]  }
0x5b: {  	v23 =	vld [tilespmem:s24+$0x6400]  }
0x5c: {  	v25 =	vld [tilespmem:s24+$0x6410]  }
.Ltmp2:
0x5d: {  	v19 =	vld [tilespmem:s24+$0x6420];
	(pc) =	sbr.rel @p1 .LBB2_3-.Ltmp2, $4  }
0x5e: {  	v24 =	vld [tilespmem:s24+$0x6430]  }
0x5f: {  	v21 =	vld [tilespmem:s24+$0x6440]  }
0x60: {  	v22 =	vld [tilespmem:s24+$0x6450]  }
0x61: {  	s23 =	sadd.s32 $0x400, s23;
	v20 =	vld [tilespmem:s24+$0x6460]  }
0x62: {  	s23 =	sshll.u32 s22, $0x2  }
0x63: {  	v27 =	vld [tilespmem:s24+$0x6470];
	p1 =	seq.s32 s22, $0x31;
	s23 =	sadd.s32 $0x4, s23  }
0x64: {  	v28 =	vld [tilespmem:s24+$0x64E0];
	s25 =	sshll.u32 @!p1 s23, $0x7  }
0x65: {  	v29 =	vld [tilespmem:s24+$0x64F0];
	s26 =	simm.s32 @!p1 $0x6400;
	s24 =	sand.u32 @!p1 $0x3FFFFF80, s25;
	s25 =	simm.s32 @!p1 $0x80  }
0x66: {  	[tilespmem:s26], [sflag:$0x1] =	stream.indirect.gather @!p1 [hbm4b:s1+s25], $0x80, s24, s25, $0xb8;
	[tilespmem:$0x16A80] =	vst v63  }
0x67: {  	_ =	swait.ge [sflag:s15], $0x4000  }
0x68: {  	[sflag:s15] =	ssyncset.done $0x0  }
0x69: {  	s25 =	simm.s32 $0x0;
	[sflag:s15] =	ssyncadd.s32 $0xFFFFC000  }
0x6a: {  	v7 =	vld [tilespmem:s25+$0xA480]  }
0x6b: {  	v9 =	vld [tilespmem:s25+$0xA490]  }
0x6c: {  	v8 =	vld [tilespmem:s25+$0xA4A0]  }
0x6d: {  	v11 =	vld [tilespmem:s25+$0xA4B0]  }
0x6e: {  	v4 =	vld [tilespmem:s25+$0xA4C0]  }
0x6f: {  	v14 =	vadd.f32 v23, v14;
	v25 =	vadd.f32 v25, v5;
	v5 =	vld [tilespmem:s25+$0xA4D0]  }
0x70: {  	v12 =	vadd.f32 v19, v12;
	v6 =	vadd.f32 v24, v6;
	v23 =	vld [tilespmem:s25+$0xA400]  }
0x71: {  	v14 =	vadd.f32 v15, v14;
	v15 =	vadd.f32 v17, v25;
	v24 =	vld [tilespmem:s25+$0xA410]  }
0x72: {  	v19 =	vadd.f32 v16, v12;
	v3 =	vadd.f32 v21, v3;
	v25 =	vld [tilespmem:s25+$0xA420]  }
0x73: {  	v18 =	vadd.f32 v18, v6;
	v6 =	vadd.f32 v22, v2;
	v26 =	vld [tilespmem:s25+$0xA430]  }
0x74: {  	v1 =	vadd.f32 v20, v1;
	v0 =	vadd.f32 v27, v0;
	v20 =	vld [tilespmem:s25+$0xA440]  }
0x75: {  	v2 =	vadd.f32 v10, v3;
	v13 =	vadd.f32 v13, v6;
	v21 =	vld [tilespmem:s25+$0xA450]  }
0x76: {  	s24 =	simm.s32 $0x400;
	v16 =	vadd.f32 v28, v1;
	v17 =	vadd.f32 v29, v0;
	v22 =	vld [tilespmem:s25+$0xA460]  }
.LBB2_5:
0x77: {  	p2 =	sne.s32 s24, $0xFC00;
	v0 =	vadd.f32 v23, v14;
	v1 =	vadd.f32 v24, v15;
	v3 =	vld [tilespmem:s25+$0xA470]  }
0x78: {  	v6 =	vadd.f32 v25, v19;
	v10 =	vadd.f32 v26, v18;
	v12 =	vld [tilespmem:s25+$0xA4E0]  }
0x79: {  	v14 =	vadd.f32 v7, v0;
	v15 =	vadd.f32 v9, v1;
	v0 =	vld [tilespmem:s25+$0xA4F0];
	s25 =	sshra.s32 s24, $0x2  }
0x7a: {  	v19 =	vadd.f32 v8, v6;
	v7 =	vld [tilespmem:s25+$0xA480];
	v18 =	vadd.f32 v11, v10  }
0x7b: {  	v1 =	vadd.f32 v20, v2;
	v6 =	vadd.f32 v21, v13;
	v9 =	vld [tilespmem:s25+$0xA490]  }
0x7c: {  	v10 =	vadd.f32 v22, v16;
	v8 =	vld [tilespmem:s25+$0xA4A0];
	v3 =	vadd.f32 v3, v17  }
0x7d: {  	v2 =	vadd.f32 v4, v1;
	v13 =	vadd.f32 v5, v6;
	v11 =	vld [tilespmem:s25+$0xA4B0]  }
0x7e: {  	v16 =	vadd.f32 v12, v10;
	v4 =	vld [tilespmem:s25+$0xA4C0];
	v17 =	vadd.f32 v0, v3  }
0x7f: {  	v5 =	vld [tilespmem:s25+$0xA4D0]  }
0x80: {  	v23 =	vld [tilespmem:s25+$0xA400]  }
0x81: {  	v24 =	vld [tilespmem:s25+$0xA410]  }
.Ltmp3:
0x82: {  	v25 =	vld [tilespmem:s25+$0xA420];
	(pc) =	sbr.rel @p2 .LBB2_5-.Ltmp3, $4  }
0x83: {  	v26 =	vld [tilespmem:s25+$0xA430]  }
0x84: {  	v20 =	vld [tilespmem:s25+$0xA440]  }
0x85: {  	v21 =	vld [tilespmem:s25+$0xA450]  }
0x86: {  	s24 =	sadd.s32 $0x400, s24;
	v22 =	vld [tilespmem:s25+$0xA460]  }
0x87: {  	v27 =	vld [tilespmem:s25+$0xA470];
	s24 =	sshll.u32 @!p1 s22, $0x9  }
0x88: {  	v28 =	vld [tilespmem:s25+$0xA4E0];
	s24 =	sand.u32 @!p1 $0x3FFFFE00, s24  }
0x89: {  	v29 =	vld [tilespmem:s25+$0xA4F0];
	s26 =	simm.s32 @!p1 $0x80;
	s28 =	simm.s32 @!p1 $0xA400;
	s25 =	sadd.s32 @!p1 $0x280, s24  }
0x8a: {  	[tilespmem:s28], [sflag:$0x2] =	stream.indirect.gather @!p1 [hbm4b:s1+s26], $0x80, s25, s26, $0xb8;
	[tilespmem:$0x16A80] =	vst v63  }
0x8b: {  	_ =	swait.ge [sflag:s12], $0x4000  }
0x8c: {  	[sflag:s12] =	ssyncset.done $0x0  }
0x8d: {  	s25 =	simm.s32 $0x0;
	[sflag:s12] =	ssyncadd.s32 $0xFFFFC000  }
0x8e: {  	v3 =	vld [tilespmem:s25+$0xE480]  }
0x8f: {  	v10 =	vld [tilespmem:s25+$0xE490]  }
0x90: {  	v6 =	vld [tilespmem:s25+$0xE4A0]  }
0x91: {  	v12 =	vld [tilespmem:s25+$0xE4B0]  }
0x92: {  	v0 =	vld [tilespmem:s25+$0xE4C0]  }
0x93: {  	v14 =	vadd.f32 v23, v14;
	v15 =	vadd.f32 v24, v15;
	v1 =	vld [tilespmem:s25+$0xE4D0]  }
0x94: {  	v19 =	vadd.f32 v25, v19;
	v25 =	vadd.f32 v26, v18;
	v23 =	vld [tilespmem:s25+$0xE400]  }
0x95: {  	v14 =	vadd.f32 v7, v14;
	v15 =	vadd.f32 v9, v15;
	v24 =	vld [tilespmem:s25+$0xE410]  }
0x96: {  	v18 =	vadd.f32 v8, v19;
	v19 =	vadd.f32 v11, v25;
	v25 =	vld [tilespmem:s25+$0xE420]  }
0x97: {  	v2 =	vadd.f32 v20, v2;
	v7 =	vadd.f32 v21, v13;
	v26 =	vld [tilespmem:s25+$0xE430]  }
0x98: {  	v8 =	vadd.f32 v22, v16;
	v9 =	vadd.f32 v27, v17;
	v20 =	vld [tilespmem:s25+$0xE440]  }
0x99: {  	v11 =	vadd.f32 v4, v2;
	v13 =	vadd.f32 v5, v7;
	v21 =	vld [tilespmem:s25+$0xE450]  }
0x9a: {  	s26 =	simm.s32 $0x400;
	v16 =	vadd.f32 v28, v8;
	v17 =	vadd.f32 v29, v9;
	v22 =	vld [tilespmem:s25+$0xE460]  }
.LBB2_7:
0x9b: {  	p2 =	sne.s32 s26, $0xFC00;
	v2 =	vadd.f32 v23, v14;
	v4 =	vadd.f32 v24, v15;
	v5 =	vld [tilespmem:s25+$0xE470]  }
0x9c: {  	v7 =	vadd.f32 v25, v18;
	v8 =	vadd.f32 v26, v19;
	v9 =	vld [tilespmem:s25+$0xE4E0]  }
0x9d: {  	v14 =	vadd.f32 v3, v2;
	v15 =	vadd.f32 v10, v4;
	v2 =	vld [tilespmem:s25+$0xE4F0];
	s25 =	sshra.s32 s26, $0x2  }
0x9e: {  	v18 =	vadd.f32 v6, v7;
	v3 =	vld [tilespmem:s25+$0xE480];
	v19 =	vadd.f32 v12, v8  }
0x9f: {  	v4 =	vadd.f32 v20, v11;
	v7 =	vadd.f32 v21, v13;
	v10 =	vld [tilespmem:s25+$0xE490]  }
0xa0: {  	v8 =	vadd.f32 v22, v16;
	v6 =	vld [tilespmem:s25+$0xE4A0];
	v5 =	vadd.f32 v5, v17  }
0xa1: {  	v11 =	vadd.f32 v0, v4;
	v13 =	vadd.f32 v1, v7;
	v12 =	vld [tilespmem:s25+$0xE4B0]  }
0xa2: {  	v16 =	vadd.f32 v9, v8;
	v0 =	vld [tilespmem:s25+$0xE4C0];
	v17 =	vadd.f32 v2, v5  }
0xa3: {  	v1 =	vld [tilespmem:s25+$0xE4D0]  }
0xa4: {  	v23 =	vld [tilespmem:s25+$0xE400]  }
0xa5: {  	v24 =	vld [tilespmem:s25+$0xE410]  }
.Ltmp4:
0xa6: {  	v25 =	vld [tilespmem:s25+$0xE420];
	(pc) =	sbr.rel @p2 .LBB2_7-.Ltmp4, $4  }
0xa7: {  	v26 =	vld [tilespmem:s25+$0xE430]  }
0xa8: {  	v20 =	vld [tilespmem:s25+$0xE440]  }
0xa9: {  	v21 =	vld [tilespmem:s25+$0xE450]  }
0xaa: {  	s26 =	sadd.s32 $0x400, s26;
	v22 =	vld [tilespmem:s25+$0xE460]  }
0xab: {  	v27 =	vld [tilespmem:s25+$0xE470]  }
0xac: {  	v28 =	vld [tilespmem:s25+$0xE4E0]  }
0xad: {  	v29 =	vld [tilespmem:s25+$0xE4F0];
	s25 =	sadd.s32 @!p1 $0x300, s24;
	s26 =	simm.s32 @!p1 $0x80;
	s28 =	simm.s32 @!p1 $0xE400  }
0xae: {  	[tilespmem:s28], [sflag:$0x3] =	stream.indirect.gather @!p1 [hbm4b:s1+s26], $0x80, s25, s26, $0xb8;
	[tilespmem:$0x16A80] =	vst v63  }
0xaf: {  	_ =	swait.ge [sflag:s19], $0x4000  }
0xb0: {  	[sflag:s19] =	ssyncset.done $0x0  }
0xb1: {  	s25 =	simm.s32 $0x0;
	[sflag:s19] =	ssyncadd.s32 $0xFFFFC000  }
0xb2: {  	v7 =	vld [tilespmem:s25+$0x12480]  }
0xb3: {  	v9 =	vld [tilespmem:s25+$0x12490]  }
0xb4: {  	v5 =	vld [tilespmem:s25+$0x124A0]  }
0xb5: {  	v8 =	vld [tilespmem:s25+$0x124B0]  }
0xb6: {  	v2 =	vld [tilespmem:s25+$0x124C0]  }
0xb7: {  	v14 =	vadd.f32 v23, v14;
	v15 =	vadd.f32 v24, v15;
	v4 =	vld [tilespmem:s25+$0x124D0]  }
0xb8: {  	v23 =	vadd.f32 v25, v18;
	v63 =	vadd.f32 v26, v19;
	v18 =	vld [tilespmem:s25+$0x12400]  }
0xb9: {  	v14 =	vadd.f32 v3, v14;
	v3 =	vadd.f32 v10, v15;
	v19 =	vld [tilespmem:s25+$0x12410]  }
0xba: {  	v15 =	vadd.f32 v6, v23;
	v10 =	vadd.f32 v20, v11;
	v23 =	vld [tilespmem:s25+$0x12420]  }
0xbb: {  	v6 =	vadd.f32 v12, v63;
	v13 =	vadd.f32 v21, v13;
	v20 =	vld [tilespmem:s25+$0x12430]  }
0xbc: {  	v16 =	vadd.f32 v22, v16;
	v17 =	vadd.f32 v27, v17;
	v12 =	vld [tilespmem:s25+$0x12440]  }
0xbd: {  	v11 =	vadd.f32 v0, v10;
	v1 =	vadd.f32 v1, v13;
	v13 =	vld [tilespmem:s25+$0x12450]  }
0xbe: {  	s26 =	simm.s32 $0x400;
	v10 =	vadd.f32 v28, v16;
	v16 =	vld [tilespmem:s25+$0x12460];
	v0 =	vadd.f32 v29, v17  }
.LBB2_9:
0xbf: {  	p2 =	sne.s32 s26, $0xFC00;
	v14 =	vadd.f32 v18, v14;
	v3 =	vadd.f32 v19, v3;
	v17 =	vld [tilespmem:s25+$0x12470]  }
0xc0: {  	v15 =	vadd.f32 v23, v15;
	v6 =	vadd.f32 v20, v6;
	v18 =	vld [tilespmem:s25+$0x124E0]  }
0xc1: {  	v14 =	vadd.f32 v7, v14;
	v3 =	vadd.f32 v9, v3;
	v19 =	vld [tilespmem:s25+$0x124F0];
	s25 =	sshra.s32 s26, $0x2  }
0xc2: {  	v15 =	vadd.f32 v5, v15;
	v7 =	vld [tilespmem:s25+$0x12480];
	v6 =	vadd.f32 v8, v6  }
0xc3: {  	v11 =	vadd.f32 v12, v11;
	v1 =	vadd.f32 v13, v1;
	v9 =	vld [tilespmem:s25+$0x12490]  }
0xc4: {  	v10 =	vadd.f32 v16, v10;
	v5 =	vld [tilespmem:s25+$0x124A0];
	v0 =	vadd.f32 v17, v0  }
0xc5: {  	v11 =	vadd.f32 v2, v11;
	v1 =	vadd.f32 v4, v1;
	v8 =	vld [tilespmem:s25+$0x124B0]  }
0xc6: {  	v10 =	vadd.f32 v18, v10;
	v2 =	vld [tilespmem:s25+$0x124C0];
	v0 =	vadd.f32 v19, v0  }
0xc7: {  	v4 =	vld [tilespmem:s25+$0x124D0]  }
0xc8: {  	v18 =	vld [tilespmem:s25+$0x12400]  }
0xc9: {  	v19 =	vld [tilespmem:s25+$0x12410]  }
.Ltmp5:
0xca: {  	v23 =	vld [tilespmem:s25+$0x12420];
	(pc) =	sbr.rel @p2 .LBB2_9-.Ltmp5, $4  }
0xcb: {  	v20 =	vld [tilespmem:s25+$0x12430]  }
0xcc: {  	v12 =	vld [tilespmem:s25+$0x12440]  }
0xcd: {  	v13 =	vld [tilespmem:s25+$0x12450]  }
0xce: {  	s26 =	sadd.s32 $0x400, s26;
	v16 =	vld [tilespmem:s25+$0x12460]  }
0xcf: {  	v17 =	vld [tilespmem:s25+$0x12470]  }
0xd0: {  	v21 =	vld [tilespmem:s25+$0x124E0];
	s24 =	sadd.s32 @!p1 $0x380, s24  }
0xd1: {  	v22 =	vld [tilespmem:s25+$0x124F0];
	s25 =	simm.s32 @!p1 $0x80;
	s26 =	simm.s32 @!p1 $0x12400;
	s28 =	sand.u32 $0x1C, s23  }
0xd2: {  	[tilespmem:s26], [sflag:$0x4] =	stream.indirect.gather @!p1 [hbm4b:s1+s25], $0x80, s24, s25, $0xb8;
	[tilespmem:$0x16A80] =	vst v63  }
0xd3: {  	p1 =	sne.s32 s28, $0x0  }
0xd4: {  	v14 =	vadd.f32 v18, v14;
	s23 =	sshrl.u32 @!p1 s23, $0x5  }
0xd5: {  	v3 =	vadd.f32 v19, v3;
	s23 =	sadd.s32 @!p1 $0xFFFFFFFF, s23  }
0xd6: {  	v15 =	vadd.f32 v23, v15;
	v7 =	vadd.f32 v7, v14;
	s24 =	sshll.u32 @!p1 s23, $0x9  }
0xd7: {  	v6 =	vadd.f32 v20, v6;
	v9 =	vadd.f32 v9, v3;
	s24 =	sshra.s32 @!p1 s24, $0x2  }
0xd8: {  	v5 =	vadd.f32 v5, v15;
	v3 =	vadd.f32 v12, v11;
	[tilespmem:s24+$0x16400] =	vst @!p1 v7  }
0xd9: {  	v6 =	vadd.f32 v8, v6;
	v1 =	vadd.f32 v13, v1;
	[tilespmem:s24+$0x16410] =	vst @!p1 v9  }
0xda: {  	s22 =	sadd.s32 $0x1, s22;
	v8 =	vadd.f32 v16, v10;
	v3 =	vadd.f32 v2, v3;
	[tilespmem:s24+$0x16420] =	vst @!p1 v5  }
0xdb: {  	p2 =	sne.s32 s22, $0x32;
	v0 =	vadd.f32 v17, v0;
	v2 =	vadd.f32 v4, v1;
	[tilespmem:s24+$0x16430] =	vst @!p1 v6  }
.Ltmp6:
0xdc: {  	s23 =	sadd.s32 @!p1 s5, s23;
	v1 =	vadd.f32 v21, v8;
	[tilespmem:s24+$0x16440] =	vst @!p1 v3;
	(pc) =	sbr.rel @p2 .LBB2_2-.Ltmp6, $4  }
0xdd: {  	s23 =	sshll.u32 @!p1 s23, $0x4;
	v0 =	vadd.f32 v22, v0;
	[tilespmem:s24+$0x16450] =	vst @!p1 v2  }
0xde: {  	v12 =	vpsel !p1, $0x0, v5;
	v14 =	vpsel !p1, $0x0, v7;
	s23 =	sand.u32 @!p1 $0x1FFFFFF0, s23;
	[tilespmem:s24+$0x16460] =	vst @!p1 v1  }
0xdf: {  	s25 =	sadd.s32 @!p1 $0x16400, s24;
	v3 =	vpsel !p1, $0x0, v3;
	v6 =	vpsel !p1, $0x0, v6;
	v5 =	vpsel !p1, $0x0, v9;
	s23 =	sadd.s32 @!p1 s3, s23;
	[tilespmem:s24+$0x16470] =	vst @!p1 v0;
	s24 =	simm.s32 @!p1 $0x0  }
0xe0: {  	v2 =	vpsel !p1, $0x0, v2;
	v1 =	vpsel !p1, $0x0, v1;
	v0 =	vpsel !p1, $0x0, v0;
	[hbm4b:s23+s24] =	stream.linear.scatter @!p1 [tilespmem:s25], [sflag:$0x5], $0x80, $0x38;
	[tilespmem:$0x16A80] =	vst v63  }
0xe1: {  	[tilespmem:$0x16700] =	vst v14  }
0xe2: {  	[tilespmem:$0x16710] =	vst v5  }
0xe3: {  	[tilespmem:$0x16720] =	vst v12  }
0xe4: {  	[tilespmem:$0x16730] =	vst v6  }
0xe5: {  	[tilespmem:$0x16740] =	vst v3  }
0xe6: {  	[tilespmem:$0x16750] =	vst v2  }
0xe7: {  	[tilespmem:$0x16760] =	vst v1  }
0xe8: {  	[tilespmem:$0x16770] =	vst v0  }
0xe9: {  	[spmem:s14] =	stream.linear.scatter [tilespmem:s20], [sflag:$0x6], $0x80, $0x38;
	[tilespmem:$0x16A80] =	vst v63  }
0xea: {  	_ =	swait.ge [sflag:s17], $0x80  }
0xeb: {  	[sflag:s17] =	ssyncset.done $0x0  }
0xec: {  	[sflag:s17] =	ssyncadd.s32 $0xFFFFFF80  }
0xed: {  	_ =	swait.ge [sflag:s2], $0x80  }
0xee: {  	[sflag:s2] =	ssyncset.done $0x0  }
0xef: {  	[sflag:s2] =	ssyncadd.s32 $0xFFFFFF80  }
0xf0: {  	_ =	swait.ge [sflag:s2], $0x80  }
0xf1: {  	[sflag:s2] =	ssyncset.done $0x0  }
0xf2: {  	[sflag:s2] =	ssyncadd.s32 $0xFFFFFF80  }
0xf3: {  	_ =	swait.ge [sflag:s2], $0x80  }
0xf4: {  	[sflag:s2] =	ssyncset.done $0x0  }
0xf5: {  	[sflag:s2] =	ssyncadd.s32 $0xFFFFFF80  }
0xf6: {  	_ =	swait.ge [sflag:s2], $0x80  }
0xf7: {  	[sflag:s2] =	ssyncset.done $0x0  }
0xf8: {  	[sflag:s2] =	ssyncadd.s32 $0xFFFFFF80  }
0xf9: {  	_ =	swait.ge [sflag:s2], $0x80  }
0xfa: {  	[sflag:s2] =	ssyncset.done $0x0  }
0xfb: {  	[sflag:s2] =	ssyncadd.s32 $0xFFFFFF80  }
.Ltmp7:
0xfc: {  	_ =	swait.ge [sflag:s2], $0x80;
	(pc) =	sbr.rel @p0 .LBB2_13-.Ltmp7, $3  }
0xfd: {  	[sflag:s2] =	ssyncset.done $0x0  }
0xfe: {  	[sflag:s2] =	ssyncadd.s32 $0xFFFFFF80  }
0xff: {  	[bflag:$0x0] =	sbarrier.arrive $0xFFFF;
	_ =	sdelay $0x1  }
0x100: {  	s22 =	rddreg [dreg:$0x5];
	s23 =	simm.s32 $0x16800  }
0x101: {  	[tilespmem:s23], [sflag:$0x6] =	stream.linear.gather [spmem:s22], $0x200, $0x38;
	[tilespmem:$0x16A80] =	vst v63  }
0x102: {  	_ =	swait.ge [sflag:s17], $0x200  }
0x103: {  	[sflag:s17] =	ssyncset.done $0x0  }
0x104: {  	[sflag:s17] =	ssyncadd.s32 $0xFFFFFE00  }
0x105: {  	v0 =	vld [tilespmem:$0x16800]  }
0x106: {  	v1 =	vld [tilespmem:$0x16810]  }
0x107: {  	v2 =	vld [tilespmem:$0x16820]  }
0x108: {  	v3 =	vld [tilespmem:$0x16830]  }
0x109: {  	v4 =	vld [tilespmem:$0x16840]  }
0x10a: {  	v5 =	vld [tilespmem:$0x16850]  }
0x10b: {  	v6 =	vld [tilespmem:$0x16860]  }
0x10c: {  	v7 =	vld [tilespmem:$0x16870]  }
0x10d: {  	v8 =	vld [tilespmem:$0x16880]  }
0x10e: {  	v9 =	vld [tilespmem:$0x16890]  }
0x10f: {  	v10 =	vld [tilespmem:$0x168A0]  }
0x110: {  	v11 =	vld [tilespmem:$0x168B0]  }
0x111: {  	v12 =	vld [tilespmem:$0x168C0]  }
0x112: {  	v13 =	vld [tilespmem:$0x168D0]  }
0x113: {  	v14 =	vld [tilespmem:$0x168E0]  }
0x114: {  	v15 =	vld [tilespmem:$0x168F0]  }
0x115: {  	v16 =	vld [tilespmem:$0x16900]  }
0x116: {  	v17 =	vld [tilespmem:$0x16910]  }
0x117: {  	v18 =	vld [tilespmem:$0x16920]  }
0x118: {  	v19 =	vld [tilespmem:$0x16930]  }
0x119: {  	v20 =	vld [tilespmem:$0x16940]  }
0x11a: {  	v21 =	vld [tilespmem:$0x16950]  }
0x11b: {  	v22 =	vld [tilespmem:$0x16960]  }
0x11c: {  	v23 =	vld [tilespmem:$0x16970]  }
0x11d: {  	v54 =	vld [tilespmem:$0x16980];
	v0 =	vadd.f32 v8, v0;
	v1 =	vadd.f32 v9, v1  }
0x11e: {  	v55 =	vld [tilespmem:$0x16990];
	v2 =	vadd.f32 v10, v2;
	v3 =	vadd.f32 v11, v3  }
0x11f: {  	v56 =	vld [tilespmem:$0x169A0];
	v4 =	vadd.f32 v12, v4;
	v5 =	vadd.f32 v13, v5  }
0x120: {  	v57 =	vld [tilespmem:$0x169B0];
	v6 =	vadd.f32 v14, v6;
	v0 =	vadd.f32 v16, v0  }
0x121: {  	v58 =	vld [tilespmem:$0x169C0];
	v7 =	vadd.f32 v15, v7;
	v1 =	vadd.f32 v17, v1  }
0x122: {  	v59 =	vld [tilespmem:$0x169D0];
	v2 =	vadd.f32 v18, v2;
	v0 =	vadd.f32 v54, v0  }
0x123: {  	v60 =	vld [tilespmem:$0x169E0];
	v3 =	vadd.f32 v19, v3;
	v1 =	vadd.f32 v55, v1  }
0x124: {  	v61 =	vld [tilespmem:$0x169F0];
	v4 =	vadd.f32 v20, v4;
	v2 =	vadd.f32 v56, v2;
	[tilespmem:$0x16700] =	vst v0  }
0x125: {  	v5 =	vadd.f32 v21, v5;
	v3 =	vadd.f32 v57, v3;
	[tilespmem:$0x16710] =	vst v1  }
0x126: {  	v62 =	vadd.f32 v22, v6;
	v4 =	vadd.f32 v58, v4;
	[tilespmem:$0x16720] =	vst v2  }
0x127: {  	v63 =	vadd.f32 v23, v7;
	v5 =	vadd.f32 v59, v5;
	[tilespmem:$0x16730] =	vst v3  }
0x128: {  	v1 =	vadd.f32 v60, v62;
	[tilespmem:$0x16740] =	vst v4  }
0x129: {  	v0 =	vadd.f32 v61, v63;
	[tilespmem:$0x16750] =	vst v5  }
0x12a: {  	[tilespmem:$0x16760] =	vst v1  }
.Ltmp8:
0x12b: {  	s28 =	rddreg [dreg:$0x6];
	[tilespmem:$0x16770] =	vst v0;
	(pc) =	sbr.rel .LBB2_13-.Ltmp8, $4  }
0x12c: {  	[hbm4b:s28+s4] =	stream.linear.scatter [tilespmem:s20], [sflag:$0x6], $0x80, $0x38;
	[tilespmem:$0x16A80] =	vst v63  }
0x12d: {  	_ =	swait.ge [sflag:s17], $0x80  }
0x12e: {  	[sflag:s17] =	ssyncset.done $0x0  }
0x12f: {  	[sflag:s17] =	ssyncadd.s32 $0xFFFFFF80  }
.LBB2_14:
0x130: {  	_ =	sfence.sel $0x180000  }
0x131: {  	[bflag:$0x0] =	sbarrier.arrive $0xFFFF  }
0x132: {  	_ =	strace $0x90000047  }
0x133: {  	s0 =	stileid.u32;
	[bflag:$0x2] =	sbarrier.arrive $0xFFFF  }
0x134: {  	p0 =	sne.s32 s0, $0x0;
	s0 =	rddreg [dreg:$0x4]  }
0x135: {  	s0 =	sadd.s32 @!p0 $0x100000, s0  }
0x136: {  	[sflag:s0] =	ssyncadd.tile.s32 @!p0 $0x1;
	_ =	shalt  }
.Lfunc_end2:
_tile_overlayer_lowered:
.L_overlay_start_2:
0x137: {  	(tag) =	ssettag $0x2  }
0x138: {  	s0 =	rddreg [dreg:$0x0];
	s2 =	stileid.u32  }
0x139: {  	s1 =	rddreg [dreg:$0x1];
	p0 =	sne.s32 s2, $0x0  }
0x13a: {  	s3 =	rddreg [dreg:$0x2];
	[bflag:$0x3] =	sbarrier.arrive $0xFFFF;
	s2 =	simm.s32 @!p0 $0x1C06  }
0x13b: {  	[timem:s3], [sflag:s2] =	dma.local @!p0 [hbm:s0], s1  }
0x13c: {  	s0 =	simm.s32 @!p0 $0x6  }
0x13d: {  	_ =	swait.ge @!p0 [sflag:s0], s1  }
0x13e: {  	s1 =	ssub.s32 @!p0 $0x0, s1;
	[sflag:s0] =	ssyncset.done @!p0 $0x0  }
0x13f: {  	[sflag:s0] =	ssyncadd.s32 @!p0 s1  }
0x140: {  	[bflag:$0x3] =	sbarrier.arrive $0xFFFF  }
0x141: {  	_ =	shalt  }

</sc_bundles>
